<compile_context>
chip_gen: v7x
topology: tpu7x:2x2x1
jax: 0.10.2.dev20260603
libtpu: 0.0.44.dev20260713+nightly
codegen_flags: <defaults>
</compile_context>

<pallas_src>
import functools

import jax
import jax.numpy as jnp
from jax import lax
from jax.experimental import pallas as pl
from jax.experimental.pallas import tpu as pltpu
from jax.experimental.pallas import tpu_sc as plsc

_NUM_CORES = 2
_NUM_SUBCORES = 16
_NUM_WORKERS = _NUM_CORES * _NUM_SUBCORES
_LANES = 16


@functools.lru_cache(maxsize=None)
def _build(B, V, D):
    b_per_w = B // _NUM_WORKERS
    n_groups = b_per_w // _LANES
    mesh = plsc.VectorSubcoreMesh(core_axis_name="c", subcore_axis_name="s")

    @functools.partial(
        pl.kernel,
        mesh=mesh,
        out_type=jax.ShapeDtypeStruct((B, D), jnp.float32),
        scratch_types=[
            pltpu.VMEM((b_per_w,), jnp.int32),
            pltpu.VMEM((b_per_w, D), jnp.float32),
            pltpu.SemaphoreType.DMA,
        ],
    )
    def k(table_hbm, idx_hbm, out_hbm, idx_v, rows_v, sem):
        wid = lax.axis_index("s") * _NUM_CORES + lax.axis_index("c")
        base = wid * b_per_w

        pltpu.sync_copy(idx_hbm.at[pl.ds(base, b_per_w)], idx_v)

        def gather_group(g, _):
            v = idx_v[pl.ds(g * _LANES, _LANES)]
            for j in range(_LANES):
                pltpu.async_copy(
                    table_hbm.at[v[j]], rows_v.at[g * _LANES + j], sem
                )
            return ()

        lax.fori_loop(0, n_groups, gather_group, (), unroll=2)

        pltpu.make_async_copy(
            table_hbm.at[pl.ds(0, b_per_w)], rows_v, sem
        ).wait()

        pltpu.sync_copy(rows_v, out_hbm.at[pl.ds(base, b_per_w)])

    return k


def kernel(genre_id, embedding_table):
    if genre_id.ndim == 2 and genre_id.shape[1] == 1:
        genre_id = genre_id.squeeze(1)
    B = genre_id.shape[0]
    V, D = embedding_table.shape
    idx = genre_id.astype(jnp.int32)
    return _build(B, V, D)(embedding_table, idx)

# --- scband reference (transcript-rebuilt; emitter-appended) ---
"""Pipeline reference for scband-genre-encoder-85693187489943 (READ-ONLY COPY).

The authoritative reference and input builder live on the scoring server;
editing this copy changes nothing except your own understanding.
"""

import jax, jax.numpy as jnp
import numpy as np

NUM_GENRES = 100000
EMBED_DIM = 64
BATCH = 16384

def setup_inputs(seed: int = 0) -> dict:
    key = jax.random.key(seed)
    k_idx, k_tab = jax.random.split(key)
    genre_id = jax.random.randint(k_idx, (BATCH,), 0, NUM_GENRES, dtype=jnp.int64 if jax.config.jax_enable_x64 else jnp.int32)
    embedding_table = jax.random.normal(k_tab, (NUM_GENRES, EMBED_DIM), dtype=jnp.float32)
    return {"genre_id": genre_id, "embedding_table": embedding_table}

def reference(genre_id, embedding_table):
    # handle [B, 1] -> [B] squeeze as in original module
    if genre_id.ndim == 2 and genre_id.shape[1] == 1:
        genre_id = genre_id.squeeze(1)
    z = jnp.take(embedding_table, genre_id, axis=0)
    return z

if __name__ == "__main__":
    import jax
    _d = setup_inputs()
    print(jax.jit(kernel)(*tuple(_d.values())))

</pallas_src>

<mosaic_0001>
#map = affine_map<(d0, d1) -> (0, 0)>
#map1 = affine_map<(d0, d1) -> (0)>
module attributes {stable_mosaic.version = 14 : i64} {
  func.func @k(%arg0: i32, %arg1: i32, %arg2: memref<100000x64xf32, #tpu.memory_space<hbm>>, %arg3: memref<16384xi32, #tpu.memory_space<hbm>>, %arg4: memref<16384x64xf32, #tpu.memory_space<hbm>>, %arg5: memref<512xi32, #tpu.memory_space<vmem>>, %arg6: memref<512x64xf32, #tpu.memory_space<vmem>>, %arg7: memref<!tpu.dma_semaphore, #tpu.memory_space<semaphore_mem>>) attributes {dimension_semantics = [#tpu.dimension_semantics<core_parallel>, #tpu.dimension_semantics<subcore_parallel>], iteration_bounds = array<i64: 2, 16>, scalar_prefetch = 0 : i64, scratch_operands = 3 : i64, tpu.core_type = #tpu.core_type<sc_vector_subcore>, window_params = [{transform_indices = #map}, {transform_indices = #map1}, {transform_indices = #map}]} {
    %mul3A = arith.constant 2 : i32
    %mul3A_0 = arith.muli %arg1, %mul3A : i32
    %add3A = arith.addi %mul3A_0, %arg0 : i32
    %mul3A_1 = arith.constant 512 : i32
    %mul3A_2 = arith.muli %add3A, %mul3A_1 : i32
    "tpu.region"() ({
      %run_scoped3A = tpu.sem_alloc : memref<!tpu.dma_semaphore, #tpu.memory_space<semaphore_mem>>
      %dma_start3A = tpu.memref_slice %arg3[%mul3A_2] : memref<16384xi32, #tpu.memory_space<hbm>> -> memref<512xi32, #tpu.memory_space<hbm>>
      %dma_start3A_12 = tpu.memref_slice %arg3[%mul3A_2] : memref<16384xi32, #tpu.memory_space<hbm>> -> memref<512xi32, #tpu.memory_space<hbm>>
      tpu.enqueue_dma source(%dma_start3A_12 : memref<512xi32, #tpu.memory_space<hbm>>) target(%arg5 : memref<512xi32, #tpu.memory_space<vmem>>) target_semaphore(%run_scoped3A : memref<!tpu.dma_semaphore, #tpu.memory_space<semaphore_mem>>)
      %dma_wait3A_13 = tpu.memref_slice %arg3[%mul3A_2] : memref<16384xi32, #tpu.memory_space<hbm>> -> memref<512xi32, #tpu.memory_space<hbm>>
      %dma_wait3A_14 = tpu.memref_slice %arg3[%mul3A_2] : memref<16384xi32, #tpu.memory_space<hbm>> -> memref<512xi32, #tpu.memory_space<hbm>>
      tpu.wait_dma2 semaphore(%run_scoped3A : memref<!tpu.dma_semaphore, #tpu.memory_space<semaphore_mem>>) src(%dma_wait3A_14 : memref<512xi32, #tpu.memory_space<hbm>>) dst(%arg5 : memref<512xi32, #tpu.memory_space<vmem>>)
      tpu.yield
    }) : () -> ()
    %scan3A = arith.constant 0 : i32
    %scan3A_3 = arith.constant 32 : i32
    %scan3A_4 = arith.addi %scan3A, %scan3A_3 : i32
    %scan3A_5 = arith.constant 2 : i32
    scf.for %scan3A_12 = %scan3A to %scan3A_4 step %scan3A_5  : i32 {
      %mul3A_13 = arith.constant 16 : i32
      %mul3A_14 = arith.muli %scan3A_12, %mul3A_13 : i32
      %get3A = arith.index_cast %mul3A_14 : i32 to index
      %get3A_15 = tpu.vector_load %arg5[%get3A] {strides = array<i32>} : memref<512xi32, #tpu.memory_space<vmem>>, vector<16xi32>,
      %get3A_16 = vector.shape_cast %get3A_15 : vector<16xi32> to vector<16xi32>
      %slice3A = vector.extract_strided_slice %get3A_16 {offsets = [0], sizes = [1], strides = [1]} : vector<16xi32> to vector<1xi32>
      %squeeze3A = vector.extract %slice3A[0] : i32 from vector<1xi32>
      %mul3A_17 = arith.constant 16 : i32
      %mul3A_18 = arith.muli %scan3A_12, %mul3A_17 : i32
      %add3A_19 = arith.constant 0 : i32
      %add3A_20 = arith.addi %mul3A_18, %add3A_19 : i32
      %dma_start3A = arith.constant 0 : i32
      %dma_start3A_21 = tpu.memref_slice %arg6[%add3A_20, %dma_start3A] : memref<512x64xf32, #tpu.memory_space<vmem>> -> memref<1x64xf32, #tpu.memory_space<vmem>>
      %dma_start3A_22 = tpu.memref_squeeze %dma_start3A_21 : memref<1x64xf32, #tpu.memory_space<vmem>> -> memref<64xf32, #tpu.memory_space<vmem>>
      %dma_start3A_23 = arith.constant 0 : i32
      %dma_start3A_24 = tpu.memref_slice %arg2[%squeeze3A, %dma_start3A_23] : memref<100000x64xf32, #tpu.memory_space<hbm>> -> memref<1x64xf32, #tpu.memory_space<hbm>>
      %dma_start3A_25 = tpu.memref_squeeze %dma_start3A_24 : memref<1x64xf32, #tpu.memory_space<hbm>> -> memref<64xf32, #tpu.memory_space<hbm>>
      %dma_start3A_26 = arith.constant 0 : i32
      %dma_start3A_27 = tpu.memref_slice %arg6[%add3A_20, %dma_start3A_26] : memref<512x64xf32, #tpu.memory_space<vmem>> -> memref<1x64xf32, #tpu.memory_space<vmem>>
      %dma_start3A_28 = tpu.memref_squeeze %dma_start3A_27 : memref<1x64xf32, #tpu.memory_space<vmem>> -> memref<64xf32, #tpu.memory_space<vmem>>
      %dma_start3A_29 = arith.constant 0 : i32
      %dma_start3A_30 = tpu.memref_slice %arg2[%squeeze3A, %dma_start3A_29] : memref<100000x64xf32, #tpu.memory_space<hbm>> -> memref<1x64xf32, #tpu.memory_space<hbm>>
      %dma_start3A_31 = tpu.memref_squeeze %dma_start3A_30 : memref<1x64xf32, #tpu.memory_space<hbm>> -> memref<64xf32, #tpu.memory_space<hbm>>
      tpu.enqueue_dma source(%dma_start3A_31 : memref<64xf32, #tpu.memory_space<hbm>>) target(%dma_start3A_28 : memref<64xf32, #tpu.memory_space<vmem>>) target_semaphore(%arg7 : memref<!tpu.dma_semaphore, #tpu.memory_space<semaphore_mem>>)
      %slice3A_32 = vector.extract_strided_slice %get3A_16 {offsets = [1], sizes = [1], strides = [1]} : vector<16xi32> to vector<1xi32>
      %squeeze3A_33 = vector.extract %slice3A_32[0] : i32 from vector<1xi32>
      %mul3A_34 = arith.constant 16 : i32
      %mul3A_35 = arith.muli %scan3A_12, %mul3A_34 : i32
      %add3A_36 = arith.constant 1 : i32
      %add3A_37 = arith.addi %mul3A_35, %add3A_36 : i32
      %dma_start3A_38 = arith.constant 0 : i32
      %dma_start3A_39 = tpu.memref_slice %arg6[%add3A_37, %dma_start3A_38] : memref<512x64xf32, #tpu.memory_space<vmem>> -> memref<1x64xf32, #tpu.memory_space<vmem>>
      %dma_start3A_40 = tpu.memref_squeeze %dma_start3A_39 : memref<1x64xf32, #tpu.memory_space<vmem>> -> memref<64xf32, #tpu.memory_space<vmem>>
      %dma_start3A_41 = arith.constant 0 : i32
      %dma_start3A_42 = tpu.memref_slice %arg2[%squeeze3A_33, %dma_start3A_41] : memref<100000x64xf32, #tpu.memory_space<hbm>> -> memref<1x64xf32, #tpu.memory_space<hbm>>
      %dma_start3A_43 = tpu.memref_squeeze %dma_start3A_42 : memref<1x64xf32, #tpu.memory_space<hbm>> -> memref<64xf32, #tpu.memory_space<hbm>>
      %dma_start3A_44 = arith.constant 0 : i32
      %dma_start3A_45 = tpu.memref_slice %arg6[%add3A_37, %dma_start3A_44] : memref<512x64xf32, #tpu.memory_space<vmem>> -> memref<1x64xf32, #tpu.memory_space<vmem>>
      %dma_start3A_46 = tpu.memref_squeeze %dma_start3A_45 : memref<1x64xf32, #tpu.memory_space<vmem>> -> memref<64xf32, #tpu.memory_space<vmem>>
      %dma_start3A_47 = arith.constant 0 : i32
      %dma_start3A_48 = tpu.memref_slice %arg2[%squeeze3A_33, %dma_start3A_47] : memref<100000x64xf32, #tpu.memory_space<hbm>> -> memref<1x64xf32, #tpu.memory_space<hbm>>
      %dma_start3A_49 = tpu.memref_squeeze %dma_start3A_48 : memref<1x64xf32, #tpu.memory_space<hbm>> -> memref<64xf32, #tpu.memory_space<hbm>>
      tpu.enqueue_dma source(%dma_start3A_49 : memref<64xf32, #tpu.memory_space<hbm>>) target(%dma_start3A_46 : memref<64xf32, #tpu.memory_space<vmem>>) target_semaphore(%arg7 : memref<!tpu.dma_semaphore, #tpu.memory_space<semaphore_mem>>)
      %slice3A_50 = vector.extract_strided_slice %get3A_16 {offsets = [2], sizes = [1], strides = [1]} : vector<16xi32> to vector<1xi32>
      %squeeze3A_51 = vector.extract %slice3A_50[0] : i32 from vector<1xi32>
      %mul3A_52 = arith.constant 16 : i32
      %mul3A_53 = arith.muli %scan3A_12, %mul3A_52 : i32
      %add3A_54 = arith.constant 2 : i32
      %add3A_55 = arith.addi %mul3A_53, %add3A_54 : i32
      %dma_start3A_56 = arith.constant 0 : i32
      %dma_start3A_57 = tpu.memref_slice %arg6[%add3A_55, %dma_start3A_56] : memref<512x64xf32, #tpu.memory_space<vmem>> -> memref<1x64xf32, #tpu.memory_space<vmem>>
      %dma_start3A_58 = tpu.memref_squeeze %dma_start3A_57 : memref<1x64xf32, #tpu.memory_space<vmem>> -> memref<64xf32, #tpu.memory_space<vmem>>
      %dma_start3A_59 = arith.constant 0 : i32
      %dma_start3A_60 = tpu.memref_slice %arg2[%squeeze3A_51, %dma_start3A_59] : memref<100000x64xf32, #tpu.memory_space<hbm>> -> memref<1x64xf32, #tpu.memory_space<hbm>>
      %dma_start3A_61 = tpu.memref_squeeze %dma_start3A_60 : memref<1x64xf32, #tpu.memory_space<hbm>> -> memref<64xf32, #tpu.memory_space<hbm>>
      %dma_start3A_62 = arith.constant 0 : i32
      %dma_start3A_63 = tpu.memref_slice %arg6[%add3A_55, %dma_start3A_62] : memref<512x64xf32, #tpu.memory_space<vmem>> -> memref<1x64xf32, #tpu.memory_space<vmem>>
      %dma_start3A_64 = tpu.memref_squeeze %dma_start3A_63 : memref<1x64xf32, #tpu.memory_space<vmem>> -> memref<64xf32, #tpu.memory_space<vmem>>
      %dma_start3A_65 = arith.constant 0 : i32
      %dma_start3A_66 = tpu.memref_slice %arg2[%squeeze3A_51, %dma_start3A_65] : memref<100000x64xf32, #tpu.memory_space<hbm>> -> memref<1x64xf32, #tpu.memory_space<hbm>>
      %dma_start3A_67 = tpu.memref_squeeze %dma_start3A_66 : memref<1x64xf32, #tpu.memory_space<hbm>> -> memref<64xf32, #tpu.memory_space<hbm>>
      tpu.enqueue_dma source(%dma_start3A_67 : memref<64xf32, #tpu.memory_space<hbm>>) target(%dma_start3A_64 : memref<64xf32, #tpu.memory_space<vmem>>) target_semaphore(%arg7 : memref<!tpu.dma_semaphore, #tpu.memory_space<semaphore_mem>>)
      %slice3A_68 = vector.extract_strided_slice %get3A_16 {offsets = [3], sizes = [1], strides = [1]} : vector<16xi32> to vector<1xi32>
      %squeeze3A_69 = vector.extract %slice3A_68[0] : i32 from vector<1xi32>
      %mul3A_70 = arith.constant 16 : i32
      %mul3A_71 = arith.muli %scan3A_12, %mul3A_70 : i32
      %add3A_72 = arith.constant 3 : i32
      %add3A_73 = arith.addi %mul3A_71, %add3A_72 : i32
      %dma_start3A_74 = arith.constant 0 : i32
      %dma_start3A_75 = tpu.memref_slice %arg6[%add3A_73, %dma_start3A_74] : memref<512x64xf32, #tpu.memory_space<vmem>> -> memref<1x64xf32, #tpu.memory_space<vmem>>
      %dma_start3A_76 = tpu.memref_squeeze %dma_start3A_75 : memref<1x64xf32, #tpu.memory_space<vmem>> -> memref<64xf32, #tpu.memory_space<vmem>>
      %dma_start3A_77 = arith.constant 0 : i32
      %dma_start3A_78 = tpu.memref_slice %arg2[%squeeze3A_69, %dma_start3A_77] : memref<100000x64xf32, #tpu.memory_space<hbm>> -> memref<1x64xf32, #tpu.memory_space<hbm>>
      %dma_start3A_79 = tpu.memref_squeeze %dma_start3A_78 : memref<1x64xf32, #tpu.memory_space<hbm>> -> memref<64xf32, #tpu.memory_space<hbm>>
      %dma_start3A_80 = arith.constant 0 : i32
      %dma_start3A_81 = tpu.memref_slice %arg6[%add3A_73, %dma_start3A_80] : memref<512x64xf32, #tpu.memory_space<vmem>> -> memref<1x64xf32, #tpu.memory_space<vmem>>
      %dma_start3A_82 = tpu.memref_squeeze %dma_start3A_81 : memref<1x64xf32, #tpu.memory_space<vmem>> -> memref<64xf32, #tpu.memory_space<vmem>>
      %dma_start3A_83 = arith.constant 0 : i32
      %dma_start3A_84 = tpu.memref_slice %arg2[%squeeze3A_69, %dma_start3A_83] : memref<100000x64xf32, #tpu.memory_space<hbm>> -> memref<1x64xf32, #tpu.memory_space<hbm>>
      %dma_start3A_85 = tpu.memref_squeeze %dma_start3A_84 : memref<1x64xf32, #tpu.memory_space<hbm>> -> memref<64xf32, #tpu.memory_space<hbm>>
      tpu.enqueue_dma source(%dma_start3A_85 : memref<64xf32, #tpu.memory_space<hbm>>) target(%dma_start3A_82 : memref<64xf32, #tpu.memory_space<vmem>>) target_semaphore(%arg7 : memref<!tpu.dma_semaphore, #tpu.memory_space<semaphore_mem>>)
      %slice3A_86 = vector.extract_strided_slice %get3A_16 {offsets = [4], sizes = [1], strides = [1]} : vector<16xi32> to vector<1xi32>
      %squeeze3A_87 = vector.extract %slice3A_86[0] : i32 from vector<1xi32>
      %mul3A_88 = arith.constant 16 : i32
      %mul3A_89 = arith.muli %scan3A_12, %mul3A_88 : i32
      %add3A_90 = arith.constant 4 : i32
      %add3A_91 = arith.addi %mul3A_89, %add3A_90 : i32
      %dma_start3A_92 = arith.constant 0 : i32
      %dma_start3A_93 = tpu.memref_slice %arg6[%add3A_91, %dma_start3A_92] : memref<512x64xf32, #tpu.memory_space<vmem>> -> memref<1x64xf32, #tpu.memory_space<vmem>>
      %dma_start3A_94 = tpu.memref_squeeze %dma_start3A_93 : memref<1x64xf32, #tpu.memory_space<vmem>> -> memref<64xf32, #tpu.memory_space<vmem>>
      %dma_start3A_95 = arith.constant 0 : i32
      %dma_start3A_96 = tpu.memref_slice %arg2[%squeeze3A_87, %dma_start3A_95] : memref<100000x64xf32, #tpu.memory_space<hbm>> -> memref<1x64xf32, #tpu.memory_space<hbm>>
      %dma_start3A_97 = tpu.memref_squeeze %dma_start3A_96 : memref<1x64xf32, #tpu.memory_space<hbm>> -> memref<64xf32, #tpu.memory_space<hbm>>
      %dma_start3A_98 = arith.constant 0 : i32
      %dma_start3A_99 = tpu.memref_slice %arg6[%add3A_91, %dma_start3A_98] : memref<512x64xf32, #tpu.memory_space<vmem>> -> memref<1x64xf32, #tpu.memory_space<vmem>>
      %dma_start3A_100 = tpu.memref_squeeze %dma_start3A_99 : memref<1x64xf32, #tpu.memory_space<vmem>> -> memref<64xf32, #tpu.memory_space<vmem>>
      %dma_start3A_101 = arith.constant 0 : i32
      %dma_start3A_102 = tpu.memref_slice %arg2[%squeeze3A_87, %dma_start3A_101] : memref<100000x64xf32, #tpu.memory_space<hbm>> -> memref<1x64xf32, #tpu.memory_space<hbm>>
      %dma_start3A_103 = tpu.memref_squeeze %dma_start3A_102 : memref<1x64xf32, #tpu.memory_space<hbm>> -> memref<64xf32, #tpu.memory_space<hbm>>
      tpu.enqueue_dma source(%dma_start3A_103 : memref<64xf32, #tpu.memory_space<hbm>>) target(%dma_start3A_100 : memref<64xf32, #tpu.memory_space<vmem>>) target_semaphore(%arg7 : memref<!tpu.dma_semaphore, #tpu.memory_space<semaphore_mem>>)
      %slice3A_104 = vector.extract_strided_slice %get3A_16 {offsets = [5], sizes = [1], strides = [1]} : vector<16xi32> to vector<1xi32>
      %squeeze3A_105 = vector.extract %slice3A_104[0] : i32 from vector<1xi32>
      %mul3A_106 = arith.constant 16 : i32
      %mul3A_107 = arith.muli %scan3A_12, %mul3A_106 : i32
      %add3A_108 = arith.constant 5 : i32
      %add3A_109 = arith.addi %mul3A_107, %add3A_108 : i32
      %dma_start3A_110 = arith.constant 0 : i32
      %dma_start3A_111 = tpu.memref_slice %arg6[%add3A_109, %dma_start3A_110] : memref<512x64xf32, #tpu.memory_space<vmem>> -> memref<1x64xf32, #tpu.memory_space<vmem>>
      %dma_start3A_112 = tpu.memref_squeeze %dma_start3A_111 : memref<1x64xf32, #tpu.memory_space<vmem>> -> memref<64xf32, #tpu.memory_space<vmem>>
      %dma_start3A_113 = arith.constant 0 : i32
      %dma_start3A_114 = tpu.memref_slice %arg2[%squeeze3A_105, %dma_start3A_113] : memref<100000x64xf32, #tpu.memory_space<hbm>> -> memref<1x64xf32, #tpu.memory_space<hbm>>
      %dma_start3A_115 = tpu.memref_squeeze %dma_start3A_114 : memref<1x64xf32, #tpu.memory_space<hbm>> -> memref<64xf32, #tpu.memory_space<hbm>>
      %dma_start3A_116 = arith.constant 0 : i32
      %dma_start3A_117 = tpu.memref_slice %arg6[%add3A_109, %dma_start3A_116] : memref<512x64xf32, #tpu.memory_space<vmem>> -> memref<1x64xf32, #tpu.memory_space<vmem>>
      %dma_start3A_118 = tpu.memref_squeeze %dma_start3A_117 : memref<1x64xf32, #tpu.memory_space<vmem>> -> memref<64xf32, #tpu.memory_space<vmem>>
      %dma_start3A_119 = arith.constant 0 : i32
      %dma_start3A_120 = tpu.memref_slice %arg2[%squeeze3A_105, %dma_start3A_119] : memref<100000x64xf32, #tpu.memory_space<hbm>> -> memref<1x64xf32, #tpu.memory_space<hbm>>
      %dma_start3A_121 = tpu.memref_squeeze %dma_start3A_120 : memref<1x64xf32, #tpu.memory_space<hbm>> -> memref<64xf32, #tpu.memory_space<hbm>>
      tpu.enqueue_dma source(%dma_start3A_121 : memref<64xf32, #tpu.memory_space<hbm>>) target(%dma_start3A_118 : memref<64xf32, #tpu.memory_space<vmem>>) target_semaphore(%arg7 : memref<!tpu.dma_semaphore, #tpu.memory_space<semaphore_mem>>)
      %slice3A_122 = vector.extract_strided_slice %get3A_16 {offsets = [6], sizes = [1], strides = [1]} : vector<16xi32> to vector<1xi32>
      %squeeze3A_123 = vector.extract %slice3A_122[0] : i32 from vector<1xi32>
      %mul3A_124 = arith.constant 16 : i32
      %mul3A_125 = arith.muli %scan3A_12, %mul3A_124 : i32
      %add3A_126 = arith.constant 6 : i32
      %add3A_127 = arith.addi %mul3A_125, %add3A_126 : i32
      %dma_start3A_128 = arith.constant 0 : i32
      %dma_start3A_129 = tpu.memref_slice %arg6[%add3A_127, %dma_start3A_128] : memref<512x64xf32, #tpu.memory_space<vmem>> -> memref<1x64xf32, #tpu.memory_space<vmem>>
      %dma_start3A_130 = tpu.memref_squeeze %dma_start3A_129 : memref<1x64xf32, #tpu.memory_space<vmem>> -> memref<64xf32, #tpu.memory_space<vmem>>
      %dma_start3A_131 = arith.constant 0 : i32
      %dma_start3A_132 = tpu.memref_slice %arg2[%squeeze3A_123, %dma_start3A_131] : memref<100000x64xf32, #tpu.memory_space<hbm>> -> memref<1x64xf32, #tpu.memory_space<hbm>>
      %dma_start3A_133 = tpu.memref_squeeze %dma_start3A_132 : memref<1x64xf32, #tpu.memory_space<hbm>> -> memref<64xf32, #tpu.memory_space<hbm>>
      %dma_start3A_134 = arith.constant 0 : i32
      %dma_start3A_135 = tpu.memref_slice %arg6[%add3A_127, %dma_start3A_134] : memref<512x64xf32, #tpu.memory_space<vmem>> -> memref<1x64xf32, #tpu.memory_space<vmem>>
      %dma_start3A_136 = tpu.memref_squeeze %dma_start3A_135 : memref<1x64xf32, #tpu.memory_space<vmem>> -> memref<64xf32, #tpu.memory_space<vmem>>
      %dma_start3A_137 = arith.constant 0 : i32
      %dma_start3A_138 = tpu.memref_slice %arg2[%squeeze3A_123, %dma_start3A_137] : memref<100000x64xf32, #tpu.memory_space<hbm>> -> memref<1x64xf32, #tpu.memory_space<hbm>>
      %dma_start3A_139 = tpu.memref_squeeze %dma_start3A_138 : memref<1x64xf32, #tpu.memory_space<hbm>> -> memref<64xf32, #tpu.memory_space<hbm>>
      tpu.enqueue_dma source(%dma_start3A_139 : memref<64xf32, #tpu.memory_space<hbm>>) target(%dma_start3A_136 : memref<64xf32, #tpu.memory_space<vmem>>) target_semaphore(%arg7 : memref<!tpu.dma_semaphore, #tpu.memory_space<semaphore_mem>>)
      %slice3A_140 = vector.extract_strided_slice %get3A_16 {offsets = [7], sizes = [1], strides = [1]} : vector<16xi32> to vector<1xi32>
      %squeeze3A_141 = vector.extract %slice3A_140[0] : i32 from vector<1xi32>
      %mul3A_142 = arith.constant 16 : i32
      %mul3A_143 = arith.muli %scan3A_12, %mul3A_142 : i32
      %add3A_144 = arith.constant 7 : i32
      %add3A_145 = arith.addi %mul3A_143, %add3A_144 : i32
      %dma_start3A_146 = arith.constant 0 : i32
      %dma_start3A_147 = tpu.memref_slice %arg6[%add3A_145, %dma_start3A_146] : memref<512x64xf32, #tpu.memory_space<vmem>> -> memref<1x64xf32, #tpu.memory_space<vmem>>
      %dma_start3A_148 = tpu.memref_squeeze %dma_start3A_147 : memref<1x64xf32, #tpu.memory_space<vmem>> -> memref<64xf32, #tpu.memory_space<vmem>>
      %dma_start3A_149 = arith.constant 0 : i32
      %dma_start3A_150 = tpu.memref_slice %arg2[%squeeze3A_141, %dma_start3A_149] : memref<100000x64xf32, #tpu.memory_space<hbm>> -> memref<1x64xf32, #tpu.memory_space<hbm>>
      %dma_start3A_151 = tpu.memref_squeeze %dma_start3A_150 : memref<1x64xf32, #tpu.memory_space<hbm>> -> memref<64xf32, #tpu.memory_space<hbm>>
      %dma_start3A_152 = arith.constant 0 : i32
      %dma_start3A_153 = tpu.memref_slice %arg6[%add3A_145, %dma_start3A_152] : memref<512x64xf32, #tpu.memory_space<vmem>> -> memref<1x64xf32, #tpu.memory_space<vmem>>
      %dma_start3A_154 = tpu.memref_squeeze %dma_start3A_153 : memref<1x64xf32, #tpu.memory_space<vmem>> -> memref<64xf32, #tpu.memory_space<vmem>>
      %dma_start3A_155 = arith.constant 0 : i32
      %dma_start3A_156 = tpu.memref_slice %arg2[%squeeze3A_141, %dma_start3A_155] : memref<100000x64xf32, #tpu.memory_space<hbm>> -> memref<1x64xf32, #tpu.memory_space<hbm>>
      %dma_start3A_157 = tpu.memref_squeeze %dma_start3A_156 : memref<1x64xf32, #tpu.memory_space<hbm>> -> memref<64xf32, #tpu.memory_space<hbm>>
      tpu.enqueue_dma source(%dma_start3A_157 : memref<64xf32, #tpu.memory_space<hbm>>) target(%dma_start3A_154 : memref<64xf32, #tpu.memory_space<vmem>>) target_semaphore(%arg7 : memref<!tpu.dma_semaphore, #tpu.memory_space<semaphore_mem>>)
      %slice3A_158 = vector.extract_strided_slice %get3A_16 {offsets = [8], sizes = [1], strides = [1]} : vector<16xi32> to vector<1xi32>
      %squeeze3A_159 = vector.extract %slice3A_158[0] : i32 from vector<1xi32>
      %mul3A_160 = arith.constant 16 : i32
      %mul3A_161 = arith.muli %scan3A_12, %mul3A_160 : i32
      %add3A_162 = arith.constant 8 : i32
      %add3A_163 = arith.addi %mul3A_161, %add3A_162 : i32
      %dma_start3A_164 = arith.constant 0 : i32
      %dma_start3A_165 = tpu.memref_slice %arg6[%add3A_163, %dma_start3A_164] : memref<512x64xf32, #tpu.memory_space<vmem>> -> memref<1x64xf32, #tpu.memory_space<vmem>>
      %dma_start3A_166 = tpu.memref_squeeze %dma_start3A_165 : memref<1x64xf32, #tpu.memory_space<vmem>> -> memref<64xf32, #tpu.memory_space<vmem>>
      %dma_start3A_167 = arith.constant 0 : i32
      %dma_start3A_168 = tpu.memref_slice %arg2[%squeeze3A_159, %dma_start3A_167] : memref<100000x64xf32, #tpu.memory_space<hbm>> -> memref<1x64xf32, #tpu.memory_space<hbm>>
      %dma_start3A_169 = tpu.memref_squeeze %dma_start3A_168 : memref<1x64xf32, #tpu.memory_space<hbm>> -> memref<64xf32, #tpu.memory_space<hbm>>
      %dma_start3A_170 = arith.constant 0 : i32
      %dma_start3A_171 = tpu.memref_slice %arg6[%add3A_163, %dma_start3A_170] : memref<512x64xf32, #tpu.memory_space<vmem>> -> memref<1x64xf32, #tpu.memory_space<vmem>>
      %dma_start3A_172 = tpu.memref_squeeze %dma_start3A_171 : memref<1x64xf32, #tpu.memory_space<vmem>> -> memref<64xf32, #tpu.memory_space<vmem>>
      %dma_start3A_173 = arith.constant 0 : i32
      %dma_start3A_174 = tpu.memref_slice %arg2[%squeeze3A_159, %dma_start3A_173] : memref<100000x64xf32, #tpu.memory_space<hbm>> -> memref<1x64xf32, #tpu.memory_space<hbm>>
      %dma_start3A_175 = tpu.memref_squeeze %dma_start3A_174 : memref<1x64xf32, #tpu.memory_space<hbm>> -> memref<64xf32, #tpu.memory_space<hbm>>
      tpu.enqueue_dma source(%dma_start3A_175 : memref<64xf32, #tpu.memory_space<hbm>>) target(%dma_start3A_172 : memref<64xf32, #tpu.memory_space<vmem>>) target_semaphore(%arg7 : memref<!tpu.dma_semaphore, #tpu.memory_space<semaphore_mem>>)
      %slice3A_176 = vector.extract_strided_slice %get3A_16 {offsets = [9], sizes = [1], strides = [1]} : vector<16xi32> to vector<1xi32>
      %squeeze3A_177 = vector.extract %slice3A_176[0] : i32 from vector<1xi32>
      %mul3A_178 = arith.constant 16 : i32
      %mul3A_179 = arith.muli %scan3A_12, %mul3A_178 : i32
      %add3A_180 = arith.constant 9 : i32
      %add3A_181 = arith.addi %mul3A_179, %add3A_180 : i32
      %dma_start3A_182 = arith.constant 0 : i32
      %dma_start3A_183 = tpu.memref_slice %arg6[%add3A_181, %dma_start3A_182] : memref<512x64xf32, #tpu.memory_space<vmem>> -> memref<1x64xf32, #tpu.memory_space<vmem>>
      %dma_start3A_184 = tpu.memref_squeeze %dma_start3A_183 : memref<1x64xf32, #tpu.memory_space<vmem>> -> memref<64xf32, #tpu.memory_space<vmem>>
      %dma_start3A_185 = arith.constant 0 : i32
      %dma_start3A_186 = tpu.memref_slice %arg2[%squeeze3A_177, %dma_start3A_185] : memref<100000x64xf32, #tpu.memory_space<hbm>> -> memref<1x64xf32, #tpu.memory_space<hbm>>
      %dma_start3A_187 = tpu.memref_squeeze %dma_start3A_186 : memref<1x64xf32, #tpu.memory_space<hbm>> -> memref<64xf32, #tpu.memory_space<hbm>>
      %dma_start3A_188 = arith.constant 0 : i32
      %dma_start3A_189 = tpu.memref_slice %arg6[%add3A_181, %dma_start3A_188] : memref<512x64xf32, #tpu.memory_space<vmem>> -> memref<1x64xf32, #tpu.memory_space<vmem>>
      %dma_start3A_190 = tpu.memref_squeeze %dma_start3A_189 : memref<1x64xf32, #tpu.memory_space<vmem>> -> memref<64xf32, #tpu.memory_space<vmem>>
      %dma_start3A_191 = arith.constant 0 : i32
      %dma_start3A_192 = tpu.memref_slice %arg2[%squeeze3A_177, %dma_start3A_191] : memref<100000x64xf32, #tpu.memory_space<hbm>> -> memref<1x64xf32, #tpu.memory_space<hbm>>
      %dma_start3A_193 = tpu.memref_squeeze %dma_start3A_192 : memref<1x64xf32, #tpu.memory_space<hbm>> -> memref<64xf32, #tpu.memory_space<hbm>>
      tpu.enqueue_dma source(%dma_start3A_193 : memref<64xf32, #tpu.memory_space<hbm>>) target(%dma_start3A_190 : memref<64xf32, #tpu.memory_space<vmem>>) target_semaphore(%arg7 : memref<!tpu.dma_semaphore, #tpu.memory_space<semaphore_mem>>)
      %slice3A_194 = vector.extract_strided_slice %get3A_16 {offsets = [10], sizes = [1], strides = [1]} : vector<16xi32> to vector<1xi32>
      %squeeze3A_195 = vector.extract %slice3A_194[0] : i32 from vector<1xi32>
      %mul3A_196 = arith.constant 16 : i32
      %mul3A_197 = arith.muli %scan3A_12, %mul3A_196 : i32
      %add3A_198 = arith.constant 10 : i32
      %add3A_199 = arith.addi %mul3A_197, %add3A_198 : i32
      %dma_start3A_200 = arith.constant 0 : i32
      %dma_start3A_201 = tpu.memref_slice %arg6[%add3A_199, %dma_start3A_200] : memref<512x64xf32, #tpu.memory_space<vmem>> -> memref<1x64xf32, #tpu.memory_space<vmem>>
      %dma_start3A_202 = tpu.memref_squeeze %dma_start3A_201 : memref<1x64xf32, #tpu.memory_space<vmem>> -> memref<64xf32, #tpu.memory_space<vmem>>
      %dma_start3A_203 = arith.constant 0 : i32
      %dma_start3A_204 = tpu.memref_slice %arg2[%squeeze3A_195, %dma_start3A_203] : memref<100000x64xf32, #tpu.memory_space<hbm>> -> memref<1x64xf32, #tpu.memory_space<hbm>>
      %dma_start3A_205 = tpu.memref_squeeze %dma_start3A_204 : memref<1x64xf32, #tpu.memory_space<hbm>> -> memref<64xf32, #tpu.memory_space<hbm>>
      %dma_start3A_206 = arith.constant 0 : i32
      %dma_start3A_207 = tpu.memref_slice %arg6[%add3A_199, %dma_start3A_206] : memref<512x64xf32, #tpu.memory_space<vmem>> -> memref<1x64xf32, #tpu.memory_space<vmem>>
      %dma_start3A_208 = tpu.memref_squeeze %dma_start3A_207 : memref<1x64xf32, #tpu.memory_space<vmem>> -> memref<64xf32, #tpu.memory_space<vmem>>
      %dma_start3A_209 = arith.constant 0 : i32
      %dma_start3A_210 = tpu.memref_slice %arg2[%squeeze3A_195, %dma_start3A_209] : memref<100000x64xf32, #tpu.memory_space<hbm>> -> memref<1x64xf32, #tpu.memory_space<hbm>>
      %dma_start3A_211 = tpu.memref_squeeze %dma_start3A_210 : memref<1x64xf32, #tpu.memory_space<hbm>> -> memref<64xf32, #tpu.memory_space<hbm>>
      tpu.enqueue_dma source(%dma_start3A_211 : memref<64xf32, #tpu.memory_space<hbm>>) target(%dma_start3A_208 : memref<64xf32, #tpu.memory_space<vmem>>) target_semaphore(%arg7 : memref<!tpu.dma_semaphore, #tpu.memory_space<semaphore_mem>>)
      %slice3A_212 = vector.extract_strided_slice %get3A_16 {offsets = [11], sizes = [1], strides = [1]} : vector<16xi32> to vector<1xi32>
      %squeeze3A_213 = vector.extract %slice3A_212[0] : i32 from vector<1xi32>
      %mul3A_214 = arith.constant 16 : i32
      %mul3A_215 = arith.muli %scan3A_12, %mul3A_214 : i32
      %add3A_216 = arith.constant 11 : i32
      %add3A_217 = arith.addi %mul3A_215, %add3A_216 : i32
      %dma_start3A_218 = arith.constant 0 : i32
      %dma_start3A_219 = tpu.memref_slice %arg6[%add3A_217, %dma_start3A_218] : memref<512x64xf32, #tpu.memory_space<vmem>> -> memref<1x64xf32, #tpu.memory_space<vmem>>
      %dma_start3A_220 = tpu.memref_squeeze %dma_start3A_219 : memref<1x64xf32, #tpu.memory_space<vmem>> -> memref<64xf32, #tpu.memory_space<vmem>>
      %dma_start3A_221 = arith.constant 0 : i32
      %dma_start3A_222 = tpu.memref_slice %arg2[%squeeze3A_213, %dma_start3A_221] : memref<100000x64xf32, #tpu.memory_space<hbm>> -> memref<1x64xf32, #tpu.memory_space<hbm>>
      %dma_start3A_223 = tpu.memref_squeeze %dma_start3A_222 : memref<1x64xf32, #tpu.memory_space<hbm>> -> memref<64xf32, #tpu.memory_space<hbm>>
      %dma_start3A_224 = arith.constant 0 : i32
      %dma_start3A_225 = tpu.memref_slice %arg6[%add3A_217, %dma_start3A_224] : memref<512x64xf32, #tpu.memory_space<vmem>> -> memref<1x64xf32, #tpu.memory_space<vmem>>
      %dma_start3A_226 = tpu.memref_squeeze %dma_start3A_225 : memref<1x64xf32, #tpu.memory_space<vmem>> -> memref<64xf32, #tpu.memory_space<vmem>>
      %dma_start3A_227 = arith.constant 0 : i32
      %dma_start3A_228 = tpu.memref_slice %arg2[%squeeze3A_213, %dma_start3A_227] : memref<100000x64xf32, #tpu.memory_space<hbm>> -> memref<1x64xf32, #tpu.memory_space<hbm>>
      %dma_start3A_229 = tpu.memref_squeeze %dma_start3A_228 : memref<1x64xf32, #tpu.memory_space<hbm>> -> memref<64xf32, #tpu.memory_space<hbm>>
      tpu.enqueue_dma source(%dma_start3A_229 : memref<64xf32, #tpu.memory_space<hbm>>) target(%dma_start3A_226 : memref<64xf32, #tpu.memory_space<vmem>>) target_semaphore(%arg7 : memref<!tpu.dma_semaphore, #tpu.memory_space<semaphore_mem>>)
      %slice3A_230 = vector.extract_strided_slice %get3A_16 {offsets = [12], sizes = [1], strides = [1]} : vector<16xi32> to vector<1xi32>
      %squeeze3A_231 = vector.extract %slice3A_230[0] : i32 from vector<1xi32>
      %mul3A_232 = arith.constant 16 : i32
      %mul3A_233 = arith.muli %scan3A_12, %mul3A_232 : i32
      %add3A_234 = arith.constant 12 : i32
      %add3A_235 = arith.addi %mul3A_233, %add3A_234 : i32
      %dma_start3A_236 = arith.constant 0 : i32
      %dma_start3A_237 = tpu.memref_slice %arg6[%add3A_235, %dma_start3A_236] : memref<512x64xf32, #tpu.memory_space<vmem>> -> memref<1x64xf32, #tpu.memory_space<vmem>>
      %dma_start3A_238 = tpu.memref_squeeze %dma_start3A_237 : memref<1x64xf32, #tpu.memory_space<vmem>> -> memref<64xf32, #tpu.memory_space<vmem>>
      %dma_start3A_239 = arith.constant 0 : i32
      %dma_start3A_240 = tpu.memref_slice %arg2[%squeeze3A_231, %dma_start3A_239] : memref<100000x64xf32, #tpu.memory_space<hbm>> -> memref<1x64xf32, #tpu.memory_space<hbm>>
      %dma_start3A_241 = tpu.memref_squeeze %dma_start3A_240 : memref<1x64xf32, #tpu.memory_space<hbm>> -> memref<64xf32, #tpu.memory_space<hbm>>
      %dma_start3A_242 = arith.constant 0 : i32
      %dma_start3A_243 = tpu.memref_slice %arg6[%add3A_235, %dma_start3A_242] : memref<512x64xf32, #tpu.memory_space<vmem>> -> memref<1x64xf32, #tpu.memory_space<vmem>>
      %dma_start3A_244 = tpu.memref_squeeze %dma_start3A_243 : memref<1x64xf32, #tpu.memory_space<vmem>> -> memref<64xf32, #tpu.memory_space<vmem>>
      %dma_start3A_245 = arith.constant 0 : i32
      %dma_start3A_246 = tpu.memref_slice %arg2[%squeeze3A_231, %dma_start3A_245] : memref<100000x64xf32, #tpu.memory_space<hbm>> -> memref<1x64xf32, #tpu.memory_space<hbm>>
      %dma_start3A_247 = tpu.memref_squeeze %dma_start3A_246 : memref<1x64xf32, #tpu.memory_space<hbm>> -> memref<64xf32, #tpu.memory_space<hbm>>
      tpu.enqueue_dma source(%dma_start3A_247 : memref<64xf32, #tpu.memory_space<hbm>>) target(%dma_start3A_244 : memref<64xf32, #tpu.memory_space<vmem>>) target_semaphore(%arg7 : memref<!tpu.dma_semaphore, #tpu.memory_space<semaphore_mem>>)
      %slice3A_248 = vector.extract_strided_slice %get3A_16 {offsets = [13], sizes = [1], strides = [1]} : vector<16xi32> to vector<1xi32>
      %squeeze3A_249 = vector.extract %slice3A_248[0] : i32 from vector<1xi32>
      %mul3A_250 = arith.constant 16 : i32
      %mul3A_251 = arith.muli %scan3A_12, %mul3A_250 : i32
      %add3A_252 = arith.constant 13 : i32
      %add3A_253 = arith.addi %mul3A_251, %add3A_252 : i32
      %dma_start3A_254 = arith.constant 0 : i32
      %dma_start3A_255 = tpu.memref_slice %arg6[%add3A_253, %dma_start3A_254] : memref<512x64xf32, #tpu.memory_space<vmem>> -> memref<1x64xf32, #tpu.memory_space<vmem>>
      %dma_start3A_256 = tpu.memref_squeeze %dma_start3A_255 : memref<1x64xf32, #tpu.memory_space<vmem>> -> memref<64xf32, #tpu.memory_space<vmem>>
      %dma_start3A_257 = arith.constant 0 : i32
      %dma_start3A_258 = tpu.memref_slice %arg2[%squeeze3A_249, %dma_start3A_257] : memref<100000x64xf32, #tpu.memory_space<hbm>> -> memref<1x64xf32, #tpu.memory_space<hbm>>
      %dma_start3A_259 = tpu.memref_squeeze %dma_start3A_258 : memref<1x64xf32, #tpu.memory_space<hbm>> -> memref<64xf32, #tpu.memory_space<hbm>>
      %dma_start3A_260 = arith.constant 0 : i32
      %dma_start3A_261 = tpu.memref_slice %arg6[%add3A_253, %dma_start3A_260] : memref<512x64xf32, #tpu.memory_space<vmem>> -> memref<1x64xf32, #tpu.memory_space<vmem>>
      %dma_start3A_262 = tpu.memref_squeeze %dma_start3A_261 : memref<1x64xf32, #tpu.memory_space<vmem>> -> memref<64xf32, #tpu.memory_space<vmem>>
      %dma_start3A_263 = arith.constant 0 : i32
      %dma_start3A_264 = tpu.memref_slice %arg2[%squeeze3A_249, %dma_start3A_263] : memref<100000x64xf32, #tpu.memory_space<hbm>> -> memref<1x64xf32, #tpu.memory_space<hbm>>
      %dma_start3A_265 = tpu.memref_squeeze %dma_start3A_264 : memref<1x64xf32, #tpu.memory_space<hbm>> -> memref<64xf32, #tpu.memory_space<hbm>>
      tpu.enqueue_dma source(%dma_start3A_265 : memref<64xf32, #tpu.memory_space<hbm>>) target(%dma_start3A_262 : memref<64xf32, #tpu.memory_space<vmem>>) target_semaphore(%arg7 : memref<!tpu.dma_semaphore, #tpu.memory_space<semaphore_mem>>)
      %slice3A_266 = vector.extract_strided_slice %get3A_16 {offsets = [14], sizes = [1], strides = [1]} : vector<16xi32> to vector<1xi32>
      %squeeze3A_267 = vector.extract %slice3A_266[0] : i32 from vector<1xi32>
      %mul3A_268 = arith.constant 16 : i32
      %mul3A_269 = arith.muli %scan3A_12, %mul3A_268 : i32
      %add3A_270 = arith.constant 14 : i32
      %add3A_271 = arith.addi %mul3A_269, %add3A_270 : i32
      %dma_start3A_272 = arith.constant 0 : i32
      %dma_start3A_273 = tpu.memref_slice %arg6[%add3A_271, %dma_start3A_272] : memref<512x64xf32, #tpu.memory_space<vmem>> -> memref<1x64xf32, #tpu.memory_space<vmem>>
      %dma_start3A_274 = tpu.memref_squeeze %dma_start3A_273 : memref<1x64xf32, #tpu.memory_space<vmem>> -> memref<64xf32, #tpu.memory_space<vmem>>
      %dma_start3A_275 = arith.constant 0 : i32
      %dma_start3A_276 = tpu.memref_slice %arg2[%squeeze3A_267, %dma_start3A_275] : memref<100000x64xf32, #tpu.memory_space<hbm>> -> memref<1x64xf32, #tpu.memory_space<hbm>>
      %dma_start3A_277 = tpu.memref_squeeze %dma_start3A_276 : memref<1x64xf32, #tpu.memory_space<hbm>> -> memref<64xf32, #tpu.memory_space<hbm>>
      %dma_start3A_278 = arith.constant 0 : i32
      %dma_start3A_279 = tpu.memref_slice %arg6[%add3A_271, %dma_start3A_278] : memref<512x64xf32, #tpu.memory_space<vmem>> -> memref<1x64xf32, #tpu.memory_space<vmem>>
      %dma_start3A_280 = tpu.memref_squeeze %dma_start3A_279 : memref<1x64xf32, #tpu.memory_space<vmem>> -> memref<64xf32, #tpu.memory_space<vmem>>
      %dma_start3A_281 = arith.constant 0 : i32
      %dma_start3A_282 = tpu.memref_slice %arg2[%squeeze3A_267, %dma_start3A_281] : memref<100000x64xf32, #tpu.memory_space<hbm>> -> memref<1x64xf32, #tpu.memory_space<hbm>>
      %dma_start3A_283 = tpu.memref_squeeze %dma_start3A_282 : memref<1x64xf32, #tpu.memory_space<hbm>> -> memref<64xf32, #tpu.memory_space<hbm>>
      tpu.enqueue_dma source(%dma_start3A_283 : memref<64xf32, #tpu.memory_space<hbm>>) target(%dma_start3A_280 : memref<64xf32, #tpu.memory_space<vmem>>) target_semaphore(%arg7 : memref<!tpu.dma_semaphore, #tpu.memory_space<semaphore_mem>>)
      %slice3A_284 = vector.extract_strided_slice %get3A_16 {offsets = [15], sizes = [1], strides = [1]} : vector<16xi32> to vector<1xi32>
      %squeeze3A_285 = vector.extract %slice3A_284[0] : i32 from vector<1xi32>
      %mul3A_286 = arith.constant 16 : i32
      %mul3A_287 = arith.muli %scan3A_12, %mul3A_286 : i32
      %add3A_288 = arith.constant 15 : i32
      %add3A_289 = arith.addi %mul3A_287, %add3A_288 : i32
      %dma_start3A_290 = arith.constant 0 : i32
      %dma_start3A_291 = tpu.memref_slice %arg6[%add3A_289, %dma_start3A_290] : memref<512x64xf32, #tpu.memory_space<vmem>> -> memref<1x64xf32, #tpu.memory_space<vmem>>
      %dma_start3A_292 = tpu.memref_squeeze %dma_start3A_291 : memref<1x64xf32, #tpu.memory_space<vmem>> -> memref<64xf32, #tpu.memory_space<vmem>>
      %dma_start3A_293 = arith.constant 0 : i32
      %dma_start3A_294 = tpu.memref_slice %arg2[%squeeze3A_285, %dma_start3A_293] : memref<100000x64xf32, #tpu.memory_space<hbm>> -> memref<1x64xf32, #tpu.memory_space<hbm>>
      %dma_start3A_295 = tpu.memref_squeeze %dma_start3A_294 : memref<1x64xf32, #tpu.memory_space<hbm>> -> memref<64xf32, #tpu.memory_space<hbm>>
      %dma_start3A_296 = arith.constant 0 : i32
      %dma_start3A_297 = tpu.memref_slice %arg6[%add3A_289, %dma_start3A_296] : memref<512x64xf32, #tpu.memory_space<vmem>> -> memref<1x64xf32, #tpu.memory_space<vmem>>
      %dma_start3A_298 = tpu.memref_squeeze %dma_start3A_297 : memref<1x64xf32, #tpu.memory_space<vmem>> -> memref<64xf32, #tpu.memory_space<vmem>>
      %dma_start3A_299 = arith.constant 0 : i32
      %dma_start3A_300 = tpu.memref_slice %arg2[%squeeze3A_285, %dma_start3A_299] : memref<100000x64xf32, #tpu.memory_space<hbm>> -> memref<1x64xf32, #tpu.memory_space<hbm>>
      %dma_start3A_301 = tpu.memref_squeeze %dma_start3A_300 : memref<1x64xf32, #tpu.memory_space<hbm>> -> memref<64xf32, #tpu.memory_space<hbm>>
      tpu.enqueue_dma source(%dma_start3A_301 : memref<64xf32, #tpu.memory_space<hbm>>) target(%dma_start3A_298 : memref<64xf32, #tpu.memory_space<vmem>>) target_semaphore(%arg7 : memref<!tpu.dma_semaphore, #tpu.memory_space<semaphore_mem>>)
      %scan3A_302 = arith.constant 1 : i32
      %scan3A_303 = arith.addi %scan3A_12, %scan3A_302 : i32
      %mul3A_304 = arith.constant 16 : i32
      %mul3A_305 = arith.muli %scan3A_303, %mul3A_304 : i32
      %get3A_306 = arith.index_cast %mul3A_305 : i32 to index
      %get3A_307 = tpu.vector_load %arg5[%get3A_306] {strides = array<i32>} : memref<512xi32, #tpu.memory_space<vmem>>, vector<16xi32>,
      %get3A_308 = vector.shape_cast %get3A_307 : vector<16xi32> to vector<16xi32>
      %slice3A_309 = vector.extract_strided_slice %get3A_308 {offsets = [0], sizes = [1], strides = [1]} : vector<16xi32> to vector<1xi32>
      %squeeze3A_310 = vector.extract %slice3A_309[0] : i32 from vector<1xi32>
      %mul3A_311 = arith.constant 16 : i32
      %mul3A_312 = arith.muli %scan3A_303, %mul3A_311 : i32
      %add3A_313 = arith.constant 0 : i32
      %add3A_314 = arith.addi %mul3A_312, %add3A_313 : i32
      %dma_start3A_315 = arith.constant 0 : i32
      %dma_start3A_316 = tpu.memref_slice %arg6[%add3A_314, %dma_start3A_315] : memref<512x64xf32, #tpu.memory_space<vmem>> -> memref<1x64xf32, #tpu.memory_space<vmem>>
      %dma_start3A_317 = tpu.memref_squeeze %dma_start3A_316 : memref<1x64xf32, #tpu.memory_space<vmem>> -> memref<64xf32, #tpu.memory_space<vmem>>
      %dma_start3A_318 = arith.constant 0 : i32
      %dma_start3A_319 = tpu.memref_slice %arg2[%squeeze3A_310, %dma_start3A_318] : memref<100000x64xf32, #tpu.memory_space<hbm>> -> memref<1x64xf32, #tpu.memory_space<hbm>>
      %dma_start3A_320 = tpu.memref_squeeze %dma_start3A_319 : memref<1x64xf32, #tpu.memory_space<hbm>> -> memref<64xf32, #tpu.memory_space<hbm>>
      %dma_start3A_321 = arith.constant 0 : i32
      %dma_start3A_322 = tpu.memref_slice %arg6[%add3A_314, %dma_start3A_321] : memref<512x64xf32, #tpu.memory_space<vmem>> -> memref<1x64xf32, #tpu.memory_space<vmem>>
      %dma_start3A_323 = tpu.memref_squeeze %dma_start3A_322 : memref<1x64xf32, #tpu.memory_space<vmem>> -> memref<64xf32, #tpu.memory_space<vmem>>
      %dma_start3A_324 = arith.constant 0 : i32
      %dma_start3A_325 = tpu.memref_slice %arg2[%squeeze3A_310, %dma_start3A_324] : memref<100000x64xf32, #tpu.memory_space<hbm>> -> memref<1x64xf32, #tpu.memory_space<hbm>>
      %dma_start3A_326 = tpu.memref_squeeze %dma_start3A_325 : memref<1x64xf32, #tpu.memory_space<hbm>> -> memref<64xf32, #tpu.memory_space<hbm>>
      tpu.enqueue_dma source(%dma_start3A_326 : memref<64xf32, #tpu.memory_space<hbm>>) target(%dma_start3A_323 : memref<64xf32, #tpu.memory_space<vmem>>) target_semaphore(%arg7 : memref<!tpu.dma_semaphore, #tpu.memory_space<semaphore_mem>>)
      %slice3A_327 = vector.extract_strided_slice %get3A_308 {offsets = [1], sizes = [1], strides = [1]} : vector<16xi32> to vector<1xi32>
      %squeeze3A_328 = vector.extract %slice3A_327[0] : i32 from vector<1xi32>
      %mul3A_329 = arith.constant 16 : i32
      %mul3A_330 = arith.muli %scan3A_303, %mul3A_329 : i32
      %add3A_331 = arith.constant 1 : i32
      %add3A_332 = arith.addi %mul3A_330, %add3A_331 : i32
      %dma_start3A_333 = arith.constant 0 : i32
      %dma_start3A_334 = tpu.memref_slice %arg6[%add3A_332, %dma_start3A_333] : memref<512x64xf32, #tpu.memory_space<vmem>> -> memref<1x64xf32, #tpu.memory_space<vmem>>
      %dma_start3A_335 = tpu.memref_squeeze %dma_start3A_334 : memref<1x64xf32, #tpu.memory_space<vmem>> -> memref<64xf32, #tpu.memory_space<vmem>>
      %dma_start3A_336 = arith.constant 0 : i32
      %dma_start3A_337 = tpu.memref_slice %arg2[%squeeze3A_328, %dma_start3A_336] : memref<100000x64xf32, #tpu.memory_space<hbm>> -> memref<1x64xf32, #tpu.memory_space<hbm>>
      %dma_start3A_338 = tpu.memref_squeeze %dma_start3A_337 : memref<1x64xf32, #tpu.memory_space<hbm>> -> memref<64xf32, #tpu.memory_space<hbm>>
      %dma_start3A_339 = arith.constant 0 : i32
      %dma_start3A_340 = tpu.memref_slice %arg6[%add3A_332, %dma_start3A_339] : memref<512x64xf32, #tpu.memory_space<vmem>> -> memref<1x64xf32, #tpu.memory_space<vmem>>
      %dma_start3A_341 = tpu.memref_squeeze %dma_start3A_340 : memref<1x64xf32, #tpu.memory_space<vmem>> -> memref<64xf32, #tpu.memory_space<vmem>>
      %dma_start3A_342 = arith.constant 0 : i32
      %dma_start3A_343 = tpu.memref_slice %arg2[%squeeze3A_328, %dma_start3A_342] : memref<100000x64xf32, #tpu.memory_space<hbm>> -> memref<1x64xf32, #tpu.memory_space<hbm>>
      %dma_start3A_344 = tpu.memref_squeeze %dma_start3A_343 : memref<1x64xf32, #tpu.memory_space<hbm>> -> memref<64xf32, #tpu.memory_space<hbm>>
      tpu.enqueue_dma source(%dma_start3A_344 : memref<64xf32, #tpu.memory_space<hbm>>) target(%dma_start3A_341 : memref<64xf32, #tpu.memory_space<vmem>>) target_semaphore(%arg7 : memref<!tpu.dma_semaphore, #tpu.memory_space<semaphore_mem>>)
      %slice3A_345 = vector.extract_strided_slice %get3A_308 {offsets = [2], sizes = [1], strides = [1]} : vector<16xi32> to vector<1xi32>
      %squeeze3A_346 = vector.extract %slice3A_345[0] : i32 from vector<1xi32>
      %mul3A_347 = arith.constant 16 : i32
      %mul3A_348 = arith.muli %scan3A_303, %mul3A_347 : i32
      %add3A_349 = arith.constant 2 : i32
      %add3A_350 = arith.addi %mul3A_348, %add3A_349 : i32
      %dma_start3A_351 = arith.constant 0 : i32
      %dma_start3A_352 = tpu.memref_slice %arg6[%add3A_350, %dma_start3A_351] : memref<512x64xf32, #tpu.memory_space<vmem>> -> memref<1x64xf32, #tpu.memory_space<vmem>>
      %dma_start3A_353 = tpu.memref_squeeze %dma_start3A_352 : memref<1x64xf32, #tpu.memory_space<vmem>> -> memref<64xf32, #tpu.memory_space<vmem>>
      %dma_start3A_354 = arith.constant 0 : i32
      %dma_start3A_355 = tpu.memref_slice %arg2[%squeeze3A_346, %dma_start3A_354] : memref<100000x64xf32, #tpu.memory_space<hbm>> -> memref<1x64xf32, #tpu.memory_space<hbm>>
      %dma_start3A_356 = tpu.memref_squeeze %dma_start3A_355 : memref<1x64xf32, #tpu.memory_space<hbm>> -> memref<64xf32, #tpu.memory_space<hbm>>
      %dma_start3A_357 = arith.constant 0 : i32
      %dma_start3A_358 = tpu.memref_slice %arg6[%add3A_350, %dma_start3A_357] : memref<512x64xf32, #tpu.memory_space<vmem>> -> memref<1x64xf32, #tpu.memory_space<vmem>>
      %dma_start3A_359 = tpu.memref_squeeze %dma_start3A_358 : memref<1x64xf32, #tpu.memory_space<vmem>> -> memref<64xf32, #tpu.memory_space<vmem>>
      %dma_start3A_360 = arith.constant 0 : i32
      %dma_start3A_361 = tpu.memref_slice %arg2[%squeeze3A_346, %dma_start3A_360] : memref<100000x64xf32, #tpu.memory_space<hbm>> -> memref<1x64xf32, #tpu.memory_space<hbm>>
      %dma_start3A_362 = tpu.memref_squeeze %dma_start3A_361 : memref<1x64xf32, #tpu.memory_space<hbm>> -> memref<64xf32, #tpu.memory_space<hbm>>
      tpu.enqueue_dma source(%dma_start3A_362 : memref<64xf32, #tpu.memory_space<hbm>>) target(%dma_start3A_359 : memref<64xf32, #tpu.memory_space<vmem>>) target_semaphore(%arg7 : memref<!tpu.dma_semaphore, #tpu.memory_space<semaphore_mem>>)
      %slice3A_363 = vector.extract_strided_slice %get3A_308 {offsets = [3], sizes = [1], strides = [1]} : vector<16xi32> to vector<1xi32>
      %squeeze3A_364 = vector.extract %slice3A_363[0] : i32 from vector<1xi32>
      %mul3A_365 = arith.constant 16 : i32
      %mul3A_366 = arith.muli %scan3A_303, %mul3A_365 : i32
      %add3A_367 = arith.constant 3 : i32
      %add3A_368 = arith.addi %mul3A_366, %add3A_367 : i32
      %dma_start3A_369 = arith.constant 0 : i32
      %dma_start3A_370 = tpu.memref_slice %arg6[%add3A_368, %dma_start3A_369] : memref<512x64xf32, #tpu.memory_space<vmem>> -> memref<1x64xf32, #tpu.memory_space<vmem>>
      %dma_start3A_371 = tpu.memref_squeeze %dma_start3A_370 : memref<1x64xf32, #tpu.memory_space<vmem>> -> memref<64xf32, #tpu.memory_space<vmem>>
      %dma_start3A_372 = arith.constant 0 : i32
      %dma_start3A_373 = tpu.memref_slice %arg2[%squeeze3A_364, %dma_start3A_372] : memref<100000x64xf32, #tpu.memory_space<hbm>> -> memref<1x64xf32, #tpu.memory_space<hbm>>
      %dma_start3A_374 = tpu.memref_squeeze %dma_start3A_373 : memref<1x64xf32, #tpu.memory_space<hbm>> -> memref<64xf32, #tpu.memory_space<hbm>>
      %dma_start3A_375 = arith.constant 0 : i32
      %dma_start3A_376 = tpu.memref_slice %arg6[%add3A_368, %dma_start3A_375] : memref<512x64xf32, #tpu.memory_space<vmem>> -> memref<1x64xf32, #tpu.memory_space<vmem>>
      %dma_start3A_377 = tpu.memref_squeeze %dma_start3A_376 : memref<1x64xf32, #tpu.memory_space<vmem>> -> memref<64xf32, #tpu.memory_space<vmem>>
      %dma_start3A_378 = arith.constant 0 : i32
      %dma_start3A_379 = tpu.memref_slice %arg2[%squeeze3A_364, %dma_start3A_378] : memref<100000x64xf32, #tpu.memory_space<hbm>> -> memref<1x64xf32, #tpu.memory_space<hbm>>
      %dma_start3A_380 = tpu.memref_squeeze %dma_start3A_379 : memref<1x64xf32, #tpu.memory_space<hbm>> -> memref<64xf32, #tpu.memory_space<hbm>>
      tpu.enqueue_dma source(%dma_start3A_380 : memref<64xf32, #tpu.memory_space<hbm>>) target(%dma_start3A_377 : memref<64xf32, #tpu.memory_space<vmem>>) target_semaphore(%arg7 : memref<!tpu.dma_semaphore, #tpu.memory_space<semaphore_mem>>)
      %slice3A_381 = vector.extract_strided_slice %get3A_308 {offsets = [4], sizes = [1], strides = [1]} : vector<16xi32> to vector<1xi32>
      %squeeze3A_382 = vector.extract %slice3A_381[0] : i32 from vector<1xi32>
      %mul3A_383 = arith.constant 16 : i32
      %mul3A_384 = arith.muli %scan3A_303, %mul3A_383 : i32
      %add3A_385 = arith.constant 4 : i32
      %add3A_386 = arith.addi %mul3A_384, %add3A_385 : i32
      %dma_start3A_387 = arith.constant 0 : i32
      %dma_start3A_388 = tpu.memref_slice %arg6[%add3A_386, %dma_start3A_387] : memref<512x64xf32, #tpu.memory_space<vmem>> -> memref<1x64xf32, #tpu.memory_space<vmem>>
      %dma_start3A_389 = tpu.memref_squeeze %dma_start3A_388 : memref<1x64xf32, #tpu.memory_space<vmem>> -> memref<64xf32, #tpu.memory_space<vmem>>
      %dma_start3A_390 = arith.constant 0 : i32
      %dma_start3A_391 = tpu.memref_slice %arg2[%squeeze3A_382, %dma_start3A_390] : memref<100000x64xf32, #tpu.memory_space<hbm>> -> memref<1x64xf32, #tpu.memory_space<hbm>>
      %dma_start3A_392 = tpu.memref_squeeze %dma_start3A_391 : memref<1x64xf32, #tpu.memory_space<hbm>> -> memref<64xf32, #tpu.memory_space<hbm>>
      %dma_start3A_393 = arith.constant 0 : i32
      %dma_start3A_394 = tpu.memref_slice %arg6[%add3A_386, %dma_start3A_393] : memref<512x64xf32, #tpu.memory_space<vmem>> -> memref<1x64xf32, #tpu.memory_space<vmem>>
      %dma_start3A_395 = tpu.memref_squeeze %dma_start3A_394 : memref<1x64xf32, #tpu.memory_space<vmem>> -> memref<64xf32, #tpu.memory_space<vmem>>
      %dma_start3A_396 = arith.constant 0 : i32
      %dma_start3A_397 = tpu.memref_slice %arg2[%squeeze3A_382, %dma_start3A_396] : memref<100000x64xf32, #tpu.memory_space<hbm>> -> memref<1x64xf32, #tpu.memory_space<hbm>>
      %dma_start3A_398 = tpu.memref_squeeze %dma_start3A_397 : memref<1x64xf32, #tpu.memory_space<hbm>> -> memref<64xf32, #tpu.memory_space<hbm>>
      tpu.enqueue_dma source(%dma_start3A_398 : memref<64xf32, #tpu.memory_space<hbm>>) target(%dma_start3A_395 : memref<64xf32, #tpu.memory_space<vmem>>) target_semaphore(%arg7 : memref<!tpu.dma_semaphore, #tpu.memory_space<semaphore_mem>>)
      %slice3A_399 = vector.extract_strided_slice %get3A_308 {offsets = [5], sizes = [1], strides = [1]} : vector<16xi32> to vector<1xi32>
      %squeeze3A_400 = vector.extract %slice3A_399[0] : i32 from vector<1xi32>
      %mul3A_401 = arith.constant 16 : i32
      %mul3A_402 = arith.muli %scan3A_303, %mul3A_401 : i32
      %add3A_403 = arith.constant 5 : i32
      %add3A_404 = arith.addi %mul3A_402, %add3A_403 : i32
      %dma_start3A_405 = arith.constant 0 : i32
      %dma_start3A_406 = tpu.memref_slice %arg6[%add3A_404, %dma_start3A_405] : memref<512x64xf32, #tpu.memory_space<vmem>> -> memref<1x64xf32, #tpu.memory_space<vmem>>
      %dma_start3A_407 = tpu.memref_squeeze %dma_start3A_406 : memref<1x64xf32, #tpu.memory_space<vmem>> -> memref<64xf32, #tpu.memory_space<vmem>>
      %dma_start3A_408 = arith.constant 0 : i32
      %dma_start3A_409 = tpu.memref_slice %arg2[%squeeze3A_400, %dma_start3A_408] : memref<100000x64xf32, #tpu.memory_space<hbm>> -> memref<1x64xf32, #tpu.memory_space<hbm>>
      %dma_start3A_410 = tpu.memref_squeeze %dma_start3A_409 : memref<1x64xf32, #tpu.memory_space<hbm>> -> memref<64xf32, #tpu.memory_space<hbm>>
      %dma_start3A_411 = arith.constant 0 : i32
      %dma_start3A_412 = tpu.memref_slice %arg6[%add3A_404, %dma_start3A_411] : memref<512x64xf32, #tpu.memory_space<vmem>> -> memref<1x64xf32, #tpu.memory_space<vmem>>
      %dma_start3A_413 = tpu.memref_squeeze %dma_start3A_412 : memref<1x64xf32, #tpu.memory_space<vmem>> -> memref<64xf32, #tpu.memory_space<vmem>>
      %dma_start3A_414 = arith.constant 0 : i32
      %dma_start3A_415 = tpu.memref_slice %arg2[%squeeze3A_400, %dma_start3A_414] : memref<100000x64xf32, #tpu.memory_space<hbm>> -> memref<1x64xf32, #tpu.memory_space<hbm>>
      %dma_start3A_416 = tpu.memref_squeeze %dma_start3A_415 : memref<1x64xf32, #tpu.memory_space<hbm>> -> memref<64xf32, #tpu.memory_space<hbm>>
      tpu.enqueue_dma source(%dma_start3A_416 : memref<64xf32, #tpu.memory_space<hbm>>) target(%dma_start3A_413 : memref<64xf32, #tpu.memory_space<vmem>>) target_semaphore(%arg7 : memref<!tpu.dma_semaphore, #tpu.memory_space<semaphore_mem>>)
      %slice3A_417 = vector.extract_strided_slice %get3A_308 {offsets = [6], sizes = [1], strides = [1]} : vector<16xi32> to vector<1xi32>
      %squeeze3A_418 = vector.extract %slice3A_417[0] : i32 from vector<1xi32>
      %mul3A_419 = arith.constant 16 : i32
      %mul3A_420 = arith.muli %scan3A_303, %mul3A_419 : i32
      %add3A_421 = arith.constant 6 : i32
      %add3A_422 = arith.addi %mul3A_420, %add3A_421 : i32
      %dma_start3A_423 = arith.constant 0 : i32
      %dma_start3A_424 = tpu.memref_slice %arg6[%add3A_422, %dma_start3A_423] : memref<512x64xf32, #tpu.memory_space<vmem>> -> memref<1x64xf32, #tpu.memory_space<vmem>>
      %dma_start3A_425 = tpu.memref_squeeze %dma_start3A_424 : memref<1x64xf32, #tpu.memory_space<vmem>> -> memref<64xf32, #tpu.memory_space<vmem>>
      %dma_start3A_426 = arith.constant 0 : i32
      %dma_start3A_427 = tpu.memref_slice %arg2[%squeeze3A_418, %dma_start3A_426] : memref<100000x64xf32, #tpu.memory_space<hbm>> -> memref<1x64xf32, #tpu.memory_space<hbm>>
      %dma_start3A_428 = tpu.memref_squeeze %dma_start3A_427 : memref<1x64xf32, #tpu.memory_space<hbm>> -> memref<64xf32, #tpu.memory_space<hbm>>
      %dma_start3A_429 = arith.constant 0 : i32
      %dma_start3A_430 = tpu.memref_slice %arg6[%add3A_422, %dma_start3A_429] : memref<512x64xf32, #tpu.memory_space<vmem>> -> memref<1x64xf32, #tpu.memory_space<vmem>>
      %dma_start3A_431 = tpu.memref_squeeze %dma_start3A_430 : memref<1x64xf32, #tpu.memory_space<vmem>> -> memref<64xf32, #tpu.memory_space<vmem>>
      %dma_start3A_432 = arith.constant 0 : i32
      %dma_start3A_433 = tpu.memref_slice %arg2[%squeeze3A_418, %dma_start3A_432] : memref<100000x64xf32, #tpu.memory_space<hbm>> -> memref<1x64xf32, #tpu.memory_space<hbm>>
      %dma_start3A_434 = tpu.memref_squeeze %dma_start3A_433 : memref<1x64xf32, #tpu.memory_space<hbm>> -> memref<64xf32, #tpu.memory_space<hbm>>
      tpu.enqueue_dma source(%dma_start3A_434 : memref<64xf32, #tpu.memory_space<hbm>>) target(%dma_start3A_431 : memref<64xf32, #tpu.memory_space<vmem>>) target_semaphore(%arg7 : memref<!tpu.dma_semaphore, #tpu.memory_space<semaphore_mem>>)
      %slice3A_435 = vector.extract_strided_slice %get3A_308 {offsets = [7], sizes = [1], strides = [1]} : vector<16xi32> to vector<1xi32>
      %squeeze3A_436 = vector.extract %slice3A_435[0] : i32 from vector<1xi32>
      %mul3A_437 = arith.constant 16 : i32
      %mul3A_438 = arith.muli %scan3A_303, %mul3A_437 : i32
      %add3A_439 = arith.constant 7 : i32
      %add3A_440 = arith.addi %mul3A_438, %add3A_439 : i32
      %dma_start3A_441 = arith.constant 0 : i32
      %dma_start3A_442 = tpu.memref_slice %arg6[%add3A_440, %dma_start3A_441] : memref<512x64xf32, #tpu.memory_space<vmem>> -> memref<1x64xf32, #tpu.memory_space<vmem>>
      %dma_start3A_443 = tpu.memref_squeeze %dma_start3A_442 : memref<1x64xf32, #tpu.memory_space<vmem>> -> memref<64xf32, #tpu.memory_space<vmem>>
      %dma_start3A_444 = arith.constant 0 : i32
      %dma_start3A_445 = tpu.memref_slice %arg2[%squeeze3A_436, %dma_start3A_444] : memref<100000x64xf32, #tpu.memory_space<hbm>> -> memref<1x64xf32, #tpu.memory_space<hbm>>
      %dma_start3A_446 = tpu.memref_squeeze %dma_start3A_445 : memref<1x64xf32, #tpu.memory_space<hbm>> -> memref<64xf32, #tpu.memory_space<hbm>>
      %dma_start3A_447 = arith.constant 0 : i32
      %dma_start3A_448 = tpu.memref_slice %arg6[%add3A_440, %dma_start3A_447] : memref<512x64xf32, #tpu.memory_space<vmem>> -> memref<1x64xf32, #tpu.memory_space<vmem>>
      %dma_start3A_449 = tpu.memref_squeeze %dma_start3A_448 : memref<1x64xf32, #tpu.memory_space<vmem>> -> memref<64xf32, #tpu.memory_space<vmem>>
      %dma_start3A_450 = arith.constant 0 : i32
      %dma_start3A_451 = tpu.memref_slice %arg2[%squeeze3A_436, %dma_start3A_450] : memref<100000x64xf32, #tpu.memory_space<hbm>> -> memref<1x64xf32, #tpu.memory_space<hbm>>
      %dma_start3A_452 = tpu.memref_squeeze %dma_start3A_451 : memref<1x64xf32, #tpu.memory_space<hbm>> -> memref<64xf32, #tpu.memory_space<hbm>>
      tpu.enqueue_dma source(%dma_start3A_452 : memref<64xf32, #tpu.memory_space<hbm>>) target(%dma_start3A_449 : memref<64xf32, #tpu.memory_space<vmem>>) target_semaphore(%arg7 : memref<!tpu.dma_semaphore, #tpu.memory_space<semaphore_mem>>)
      %slice3A_453 = vector.extract_strided_slice %get3A_308 {offsets = [8], sizes = [1], strides = [1]} : vector<16xi32> to vector<1xi32>
      %squeeze3A_454 = vector.extract %slice3A_453[0] : i32 from vector<1xi32>
      %mul3A_455 = arith.constant 16 : i32
      %mul3A_456 = arith.muli %scan3A_303, %mul3A_455 : i32
      %add3A_457 = arith.constant 8 : i32
      %add3A_458 = arith.addi %mul3A_456, %add3A_457 : i32
      %dma_start3A_459 = arith.constant 0 : i32
      %dma_start3A_460 = tpu.memref_slice %arg6[%add3A_458, %dma_start3A_459] : memref<512x64xf32, #tpu.memory_space<vmem>> -> memref<1x64xf32, #tpu.memory_space<vmem>>
      %dma_start3A_461 = tpu.memref_squeeze %dma_start3A_460 : memref<1x64xf32, #tpu.memory_space<vmem>> -> memref<64xf32, #tpu.memory_space<vmem>>
      %dma_start3A_462 = arith.constant 0 : i32
      %dma_start3A_463 = tpu.memref_slice %arg2[%squeeze3A_454, %dma_start3A_462] : memref<100000x64xf32, #tpu.memory_space<hbm>> -> memref<1x64xf32, #tpu.memory_space<hbm>>
      %dma_start3A_464 = tpu.memref_squeeze %dma_start3A_463 : memref<1x64xf32, #tpu.memory_space<hbm>> -> memref<64xf32, #tpu.memory_space<hbm>>
      %dma_start3A_465 = arith.constant 0 : i32
      %dma_start3A_466 = tpu.memref_slice %arg6[%add3A_458, %dma_start3A_465] : memref<512x64xf32, #tpu.memory_space<vmem>> -> memref<1x64xf32, #tpu.memory_space<vmem>>
      %dma_start3A_467 = tpu.memref_squeeze %dma_start3A_466 : memref<1x64xf32, #tpu.memory_space<vmem>> -> memref<64xf32, #tpu.memory_space<vmem>>
      %dma_start3A_468 = arith.constant 0 : i32
      %dma_start3A_469 = tpu.memref_slice %arg2[%squeeze3A_454, %dma_start3A_468] : memref<100000x64xf32, #tpu.memory_space<hbm>> -> memref<1x64xf32, #tpu.memory_space<hbm>>
      %dma_start3A_470 = tpu.memref_squeeze %dma_start3A_469 : memref<1x64xf32, #tpu.memory_space<hbm>> -> memref<64xf32, #tpu.memory_space<hbm>>
      tpu.enqueue_dma source(%dma_start3A_470 : memref<64xf32, #tpu.memory_space<hbm>>) target(%dma_start3A_467 : memref<64xf32, #tpu.memory_space<vmem>>) target_semaphore(%arg7 : memref<!tpu.dma_semaphore, #tpu.memory_space<semaphore_mem>>)
      %slice3A_471 = vector.extract_strided_slice %get3A_308 {offsets = [9], sizes = [1], strides = [1]} : vector<16xi32> to vector<1xi32>
      %squeeze3A_472 = vector.extract %slice3A_471[0] : i32 from vector<1xi32>
      %mul3A_473 = arith.constant 16 : i32
      %mul3A_474 = arith.muli %scan3A_303, %mul3A_473 : i32
      %add3A_475 = arith.constant 9 : i32
      %add3A_476 = arith.addi %mul3A_474, %add3A_475 : i32
      %dma_start3A_477 = arith.constant 0 : i32
      %dma_start3A_478 = tpu.memref_slice %arg6[%add3A_476, %dma_start3A_477] : memref<512x64xf32, #tpu.memory_space<vmem>> -> memref<1x64xf32, #tpu.memory_space<vmem>>
      %dma_start3A_479 = tpu.memref_squeeze %dma_start3A_478 : memref<1x64xf32, #tpu.memory_space<vmem>> -> memref<64xf32, #tpu.memory_space<vmem>>
      %dma_start3A_480 = arith.constant 0 : i32
      %dma_start3A_481 = tpu.memref_slice %arg2[%squeeze3A_472, %dma_start3A_480] : memref<100000x64xf32, #tpu.memory_space<hbm>> -> memref<1x64xf32, #tpu.memory_space<hbm>>
      %dma_start3A_482 = tpu.memref_squeeze %dma_start3A_481 : memref<1x64xf32, #tpu.memory_space<hbm>> -> memref<64xf32, #tpu.memory_space<hbm>>
      %dma_start3A_483 = arith.constant 0 : i32
      %dma_start3A_484 = tpu.memref_slice %arg6[%add3A_476, %dma_start3A_483] : memref<512x64xf32, #tpu.memory_space<vmem>> -> memref<1x64xf32, #tpu.memory_space<vmem>>
      %dma_start3A_485 = tpu.memref_squeeze %dma_start3A_484 : memref<1x64xf32, #tpu.memory_space<vmem>> -> memref<64xf32, #tpu.memory_space<vmem>>
      %dma_start3A_486 = arith.constant 0 : i32
      %dma_start3A_487 = tpu.memref_slice %arg2[%squeeze3A_472, %dma_start3A_486] : memref<100000x64xf32, #tpu.memory_space<hbm>> -> memref<1x64xf32, #tpu.memory_space<hbm>>
      %dma_start3A_488 = tpu.memref_squeeze %dma_start3A_487 : memref<1x64xf32, #tpu.memory_space<hbm>> -> memref<64xf32, #tpu.memory_space<hbm>>
      tpu.enqueue_dma source(%dma_start3A_488 : memref<64xf32, #tpu.memory_space<hbm>>) target(%dma_start3A_485 : memref<64xf32, #tpu.memory_space<vmem>>) target_semaphore(%arg7 : memref<!tpu.dma_semaphore, #tpu.memory_space<semaphore_mem>>)
      %slice3A_489 = vector.extract_strided_slice %get3A_308 {offsets = [10], sizes = [1], strides = [1]} : vector<16xi32> to vector<1xi32>
      %squeeze3A_490 = vector.extract %slice3A_489[0] : i32 from vector<1xi32>
      %mul3A_491 = arith.constant 16 : i32
      %mul3A_492 = arith.muli %scan3A_303, %mul3A_491 : i32
      %add3A_493 = arith.constant 10 : i32
      %add3A_494 = arith.addi %mul3A_492, %add3A_493 : i32
      %dma_start3A_495 = arith.constant 0 : i32
      %dma_start3A_496 = tpu.memref_slice %arg6[%add3A_494, %dma_start3A_495] : memref<512x64xf32, #tpu.memory_space<vmem>> -> memref<1x64xf32, #tpu.memory_space<vmem>>
      %dma_start3A_497 = tpu.memref_squeeze %dma_start3A_496 : memref<1x64xf32, #tpu.memory_space<vmem>> -> memref<64xf32, #tpu.memory_space<vmem>>
      %dma_start3A_498 = arith.constant 0 : i32
      %dma_start3A_499 = tpu.memref_slice %arg2[%squeeze3A_490, %dma_start3A_498] : memref<100000x64xf32, #tpu.memory_space<hbm>> -> memref<1x64xf32, #tpu.memory_space<hbm>>
      %dma_start3A_500 = tpu.memref_squeeze %dma_start3A_499 : memref<1x64xf32, #tpu.memory_space<hbm>> -> memref<64xf32, #tpu.memory_space<hbm>>
      %dma_start3A_501 = arith.constant 0 : i32
      %dma_start3A_502 = tpu.memref_slice %arg6[%add3A_494, %dma_start3A_501] : memref<512x64xf32, #tpu.memory_space<vmem>> -> memref<1x64xf32, #tpu.memory_space<vmem>>
      %dma_start3A_503 = tpu.memref_squeeze %dma_start3A_502 : memref<1x64xf32, #tpu.memory_space<vmem>> -> memref<64xf32, #tpu.memory_space<vmem>>
      %dma_start3A_504 = arith.constant 0 : i32
      %dma_start3A_505 = tpu.memref_slice %arg2[%squeeze3A_490, %dma_start3A_504] : memref<100000x64xf32, #tpu.memory_space<hbm>> -> memref<1x64xf32, #tpu.memory_space<hbm>>
      %dma_start3A_506 = tpu.memref_squeeze %dma_start3A_505 : memref<1x64xf32, #tpu.memory_space<hbm>> -> memref<64xf32, #tpu.memory_space<hbm>>
      tpu.enqueue_dma source(%dma_start3A_506 : memref<64xf32, #tpu.memory_space<hbm>>) target(%dma_start3A_503 : memref<64xf32, #tpu.memory_space<vmem>>) target_semaphore(%arg7 : memref<!tpu.dma_semaphore, #tpu.memory_space<semaphore_mem>>)
      %slice3A_507 = vector.extract_strided_slice %get3A_308 {offsets = [11], sizes = [1], strides = [1]} : vector<16xi32> to vector<1xi32>
      %squeeze3A_508 = vector.extract %slice3A_507[0] : i32 from vector<1xi32>
      %mul3A_509 = arith.constant 16 : i32
      %mul3A_510 = arith.muli %scan3A_303, %mul3A_509 : i32
      %add3A_511 = arith.constant 11 : i32
      %add3A_512 = arith.addi %mul3A_510, %add3A_511 : i32
      %dma_start3A_513 = arith.constant 0 : i32
      %dma_start3A_514 = tpu.memref_slice %arg6[%add3A_512, %dma_start3A_513] : memref<512x64xf32, #tpu.memory_space<vmem>> -> memref<1x64xf32, #tpu.memory_space<vmem>>
      %dma_start3A_515 = tpu.memref_squeeze %dma_start3A_514 : memref<1x64xf32, #tpu.memory_space<vmem>> -> memref<64xf32, #tpu.memory_space<vmem>>
      %dma_start3A_516 = arith.constant 0 : i32
      %dma_start3A_517 = tpu.memref_slice %arg2[%squeeze3A_508, %dma_start3A_516] : memref<100000x64xf32, #tpu.memory_space<hbm>> -> memref<1x64xf32, #tpu.memory_space<hbm>>
      %dma_start3A_518 = tpu.memref_squeeze %dma_start3A_517 : memref<1x64xf32, #tpu.memory_space<hbm>> -> memref<64xf32, #tpu.memory_space<hbm>>
      %dma_start3A_519 = arith.constant 0 : i32
      %dma_start3A_520 = tpu.memref_slice %arg6[%add3A_512, %dma_start3A_519] : memref<512x64xf32, #tpu.memory_space<vmem>> -> memref<1x64xf32, #tpu.memory_space<vmem>>
      %dma_start3A_521 = tpu.memref_squeeze %dma_start3A_520 : memref<1x64xf32, #tpu.memory_space<vmem>> -> memref<64xf32, #tpu.memory_space<vmem>>
      %dma_start3A_522 = arith.constant 0 : i32
      %dma_start3A_523 = tpu.memref_slice %arg2[%squeeze3A_508, %dma_start3A_522] : memref<100000x64xf32, #tpu.memory_space<hbm>> -> memref<1x64xf32, #tpu.memory_space<hbm>>
      %dma_start3A_524 = tpu.memref_squeeze %dma_start3A_523 : memref<1x64xf32, #tpu.memory_space<hbm>> -> memref<64xf32, #tpu.memory_space<hbm>>
      tpu.enqueue_dma source(%dma_start3A_524 : memref<64xf32, #tpu.memory_space<hbm>>) target(%dma_start3A_521 : memref<64xf32, #tpu.memory_space<vmem>>) target_semaphore(%arg7 : memref<!tpu.dma_semaphore, #tpu.memory_space<semaphore_mem>>)
      %slice3A_525 = vector.extract_strided_slice %get3A_308 {offsets = [12], sizes = [1], strides = [1]} : vector<16xi32> to vector<1xi32>
      %squeeze3A_526 = vector.extract %slice3A_525[0] : i32 from vector<1xi32>
      %mul3A_527 = arith.constant 16 : i32
      %mul3A_528 = arith.muli %scan3A_303, %mul3A_527 : i32
      %add3A_529 = arith.constant 12 : i32
      %add3A_530 = arith.addi %mul3A_528, %add3A_529 : i32
      %dma_start3A_531 = arith.constant 0 : i32
      %dma_start3A_532 = tpu.memref_slice %arg6[%add3A_530, %dma_start3A_531] : memref<512x64xf32, #tpu.memory_space<vmem>> -> memref<1x64xf32, #tpu.memory_space<vmem>>
      %dma_start3A_533 = tpu.memref_squeeze %dma_start3A_532 : memref<1x64xf32, #tpu.memory_space<vmem>> -> memref<64xf32, #tpu.memory_space<vmem>>
      %dma_start3A_534 = arith.constant 0 : i32
      %dma_start3A_535 = tpu.memref_slice %arg2[%squeeze3A_526, %dma_start3A_534] : memref<100000x64xf32, #tpu.memory_space<hbm>> -> memref<1x64xf32, #tpu.memory_space<hbm>>
      %dma_start3A_536 = tpu.memref_squeeze %dma_start3A_535 : memref<1x64xf32, #tpu.memory_space<hbm>> -> memref<64xf32, #tpu.memory_space<hbm>>
      %dma_start3A_537 = arith.constant 0 : i32
      %dma_start3A_538 = tpu.memref_slice %arg6[%add3A_530, %dma_start3A_537] : memref<512x64xf32, #tpu.memory_space<vmem>> -> memref<1x64xf32, #tpu.memory_space<vmem>>
      %dma_start3A_539 = tpu.memref_squeeze %dma_start3A_538 : memref<1x64xf32, #tpu.memory_space<vmem>> -> memref<64xf32, #tpu.memory_space<vmem>>
      %dma_start3A_540 = arith.constant 0 : i32
      %dma_start3A_541 = tpu.memref_slice %arg2[%squeeze3A_526, %dma_start3A_540] : memref<100000x64xf32, #tpu.memory_space<hbm>> -> memref<1x64xf32, #tpu.memory_space<hbm>>
      %dma_start3A_542 = tpu.memref_squeeze %dma_start3A_541 : memref<1x64xf32, #tpu.memory_space<hbm>> -> memref<64xf32, #tpu.memory_space<hbm>>
      tpu.enqueue_dma source(%dma_start3A_542 : memref<64xf32, #tpu.memory_space<hbm>>) target(%dma_start3A_539 : memref<64xf32, #tpu.memory_space<vmem>>) target_semaphore(%arg7 : memref<!tpu.dma_semaphore, #tpu.memory_space<semaphore_mem>>)
      %slice3A_543 = vector.extract_strided_slice %get3A_308 {offsets = [13], sizes = [1], strides = [1]} : vector<16xi32> to vector<1xi32>
      %squeeze3A_544 = vector.extract %slice3A_543[0] : i32 from vector<1xi32>
      %mul3A_545 = arith.constant 16 : i32
      %mul3A_546 = arith.muli %scan3A_303, %mul3A_545 : i32
      %add3A_547 = arith.constant 13 : i32
      %add3A_548 = arith.addi %mul3A_546, %add3A_547 : i32
      %dma_start3A_549 = arith.constant 0 : i32
      %dma_start3A_550 = tpu.memref_slice %arg6[%add3A_548, %dma_start3A_549] : memref<512x64xf32, #tpu.memory_space<vmem>> -> memref<1x64xf32, #tpu.memory_space<vmem>>
      %dma_start3A_551 = tpu.memref_squeeze %dma_start3A_550 : memref<1x64xf32, #tpu.memory_space<vmem>> -> memref<64xf32, #tpu.memory_space<vmem>>
      %dma_start3A_552 = arith.constant 0 : i32
      %dma_start3A_553 = tpu.memref_slice %arg2[%squeeze3A_544, %dma_start3A_552] : memref<100000x64xf32, #tpu.memory_space<hbm>> -> memref<1x64xf32, #tpu.memory_space<hbm>>
      %dma_start3A_554 = tpu.memref_squeeze %dma_start3A_553 : memref<1x64xf32, #tpu.memory_space<hbm>> -> memref<64xf32, #tpu.memory_space<hbm>>
      %dma_start3A_555 = arith.constant 0 : i32
      %dma_start3A_556 = tpu.memref_slice %arg6[%add3A_548, %dma_start3A_555] : memref<512x64xf32, #tpu.memory_space<vmem>> -> memref<1x64xf32, #tpu.memory_space<vmem>>
      %dma_start3A_557 = tpu.memref_squeeze %dma_start3A_556 : memref<1x64xf32, #tpu.memory_space<vmem>> -> memref<64xf32, #tpu.memory_space<vmem>>
      %dma_start3A_558 = arith.constant 0 : i32
      %dma_start3A_559 = tpu.memref_slice %arg2[%squeeze3A_544, %dma_start3A_558] : memref<100000x64xf32, #tpu.memory_space<hbm>> -> memref<1x64xf32, #tpu.memory_space<hbm>>
      %dma_start3A_560 = tpu.memref_squeeze %dma_start3A_559 : memref<1x64xf32, #tpu.memory_space<hbm>> -> memref<64xf32, #tpu.memory_space<hbm>>
      tpu.enqueue_dma source(%dma_start3A_560 : memref<64xf32, #tpu.memory_space<hbm>>) target(%dma_start3A_557 : memref<64xf32, #tpu.memory_space<vmem>>) target_semaphore(%arg7 : memref<!tpu.dma_semaphore, #tpu.memory_space<semaphore_mem>>)
      %slice3A_561 = vector.extract_strided_slice %get3A_308 {offsets = [14], sizes = [1], strides = [1]} : vector<16xi32> to vector<1xi32>
      %squeeze3A_562 = vector.extract %slice3A_561[0] : i32 from vector<1xi32>
      %mul3A_563 = arith.constant 16 : i32
      %mul3A_564 = arith.muli %scan3A_303, %mul3A_563 : i32
      %add3A_565 = arith.constant 14 : i32
      %add3A_566 = arith.addi %mul3A_564, %add3A_565 : i32
      %dma_start3A_567 = arith.constant 0 : i32
      %dma_start3A_568 = tpu.memref_slice %arg6[%add3A_566, %dma_start3A_567] : memref<512x64xf32, #tpu.memory_space<vmem>> -> memref<1x64xf32, #tpu.memory_space<vmem>>
      %dma_start3A_569 = tpu.memref_squeeze %dma_start3A_568 : memref<1x64xf32, #tpu.memory_space<vmem>> -> memref<64xf32, #tpu.memory_space<vmem>>
      %dma_start3A_570 = arith.constant 0 : i32
      %dma_start3A_571 = tpu.memref_slice %arg2[%squeeze3A_562, %dma_start3A_570] : memref<100000x64xf32, #tpu.memory_space<hbm>> -> memref<1x64xf32, #tpu.memory_space<hbm>>
      %dma_start3A_572 = tpu.memref_squeeze %dma_start3A_571 : memref<1x64xf32, #tpu.memory_space<hbm>> -> memref<64xf32, #tpu.memory_space<hbm>>
      %dma_start3A_573 = arith.constant 0 : i32
      %dma_start3A_574 = tpu.memref_slice %arg6[%add3A_566, %dma_start3A_573] : memref<512x64xf32, #tpu.memory_space<vmem>> -> memref<1x64xf32, #tpu.memory_space<vmem>>
      %dma_start3A_575 = tpu.memref_squeeze %dma_start3A_574 : memref<1x64xf32, #tpu.memory_space<vmem>> -> memref<64xf32, #tpu.memory_space<vmem>>
      %dma_start3A_576 = arith.constant 0 : i32
      %dma_start3A_577 = tpu.memref_slice %arg2[%squeeze3A_562, %dma_start3A_576] : memref<100000x64xf32, #tpu.memory_space<hbm>> -> memref<1x64xf32, #tpu.memory_space<hbm>>
      %dma_start3A_578 = tpu.memref_squeeze %dma_start3A_577 : memref<1x64xf32, #tpu.memory_space<hbm>> -> memref<64xf32, #tpu.memory_space<hbm>>
      tpu.enqueue_dma source(%dma_start3A_578 : memref<64xf32, #tpu.memory_space<hbm>>) target(%dma_start3A_575 : memref<64xf32, #tpu.memory_space<vmem>>) target_semaphore(%arg7 : memref<!tpu.dma_semaphore, #tpu.memory_space<semaphore_mem>>)
      %slice3A_579 = vector.extract_strided_slice %get3A_308 {offsets = [15], sizes = [1], strides = [1]} : vector<16xi32> to vector<1xi32>
      %squeeze3A_580 = vector.extract %slice3A_579[0] : i32 from vector<1xi32>
      %mul3A_581 = arith.constant 16 : i32
      %mul3A_582 = arith.muli %scan3A_303, %mul3A_581 : i32
      %add3A_583 = arith.constant 15 : i32
      %add3A_584 = arith.addi %mul3A_582, %add3A_583 : i32
      %dma_start3A_585 = arith.constant 0 : i32
      %dma_start3A_586 = tpu.memref_slice %arg6[%add3A_584, %dma_start3A_585] : memref<512x64xf32, #tpu.memory_space<vmem>> -> memref<1x64xf32, #tpu.memory_space<vmem>>
      %dma_start3A_587 = tpu.memref_squeeze %dma_start3A_586 : memref<1x64xf32, #tpu.memory_space<vmem>> -> memref<64xf32, #tpu.memory_space<vmem>>
      %dma_start3A_588 = arith.constant 0 : i32
      %dma_start3A_589 = tpu.memref_slice %arg2[%squeeze3A_580, %dma_start3A_588] : memref<100000x64xf32, #tpu.memory_space<hbm>> -> memref<1x64xf32, #tpu.memory_space<hbm>>
      %dma_start3A_590 = tpu.memref_squeeze %dma_start3A_589 : memref<1x64xf32, #tpu.memory_space<hbm>> -> memref<64xf32, #tpu.memory_space<hbm>>
      %dma_start3A_591 = arith.constant 0 : i32
      %dma_start3A_592 = tpu.memref_slice %arg6[%add3A_584, %dma_start3A_591] : memref<512x64xf32, #tpu.memory_space<vmem>> -> memref<1x64xf32, #tpu.memory_space<vmem>>
      %dma_start3A_593 = tpu.memref_squeeze %dma_start3A_592 : memref<1x64xf32, #tpu.memory_space<vmem>> -> memref<64xf32, #tpu.memory_space<vmem>>
      %dma_start3A_594 = arith.constant 0 : i32
      %dma_start3A_595 = tpu.memref_slice %arg2[%squeeze3A_580, %dma_start3A_594] : memref<100000x64xf32, #tpu.memory_space<hbm>> -> memref<1x64xf32, #tpu.memory_space<hbm>>
      %dma_start3A_596 = tpu.memref_squeeze %dma_start3A_595 : memref<1x64xf32, #tpu.memory_space<hbm>> -> memref<64xf32, #tpu.memory_space<hbm>>
      tpu.enqueue_dma source(%dma_start3A_596 : memref<64xf32, #tpu.memory_space<hbm>>) target(%dma_start3A_593 : memref<64xf32, #tpu.memory_space<vmem>>) target_semaphore(%arg7 : memref<!tpu.dma_semaphore, #tpu.memory_space<semaphore_mem>>)
    }
    %scan3A_6 = arith.constant 32 : i32
    %dma_wait3A = arith.constant 0 : i32
    %dma_wait3A_7 = arith.constant 0 : i32
    %dma_wait3A_8 = tpu.memref_slice %arg2[%dma_wait3A, %dma_wait3A_7] : memref<100000x64xf32, #tpu.memory_space<hbm>> -> memref<512x64xf32, #tpu.memory_space<hbm>>
    %dma_wait3A_9 = arith.constant 0 : i32
    %dma_wait3A_10 = arith.constant 0 : i32
    %dma_wait3A_11 = tpu.memref_slice %arg2[%dma_wait3A_9, %dma_wait3A_10] : memref<100000x64xf32, #tpu.memory_space<hbm>> -> memref<512x64xf32, #tpu.memory_space<hbm>>
    tpu.wait_dma2 semaphore(%arg7 : memref<!tpu.dma_semaphore, #tpu.memory_space<semaphore_mem>>) src(%dma_wait3A_11 : memref<512x64xf32, #tpu.memory_space<hbm>>) dst(%arg6 : memref<512x64xf32, #tpu.memory_space<vmem>>)
    "tpu.region"() ({
      %run_scoped3A = tpu.sem_alloc : memref<!tpu.dma_semaphore, #tpu.memory_space<semaphore_mem>>
      %dma_start3A = arith.constant 0 : i32
      %dma_start3A_12 = tpu.memref_slice %arg4[%mul3A_2, %dma_start3A] : memref<16384x64xf32, #tpu.memory_space<hbm>> -> memref<512x64xf32, #tpu.memory_space<hbm>>
      %dma_start3A_13 = arith.constant 0 : i32
      %dma_start3A_14 = tpu.memref_slice %arg4[%mul3A_2, %dma_start3A_13] : memref<16384x64xf32, #tpu.memory_space<hbm>> -> memref<512x64xf32, #tpu.memory_space<hbm>>
      tpu.enqueue_dma source(%arg6 : memref<512x64xf32, #tpu.memory_space<vmem>>) target(%dma_start3A_14 : memref<512x64xf32, #tpu.memory_space<hbm>>) target_semaphore(%run_scoped3A : memref<!tpu.dma_semaphore, #tpu.memory_space<semaphore_mem>>)
      %dma_wait3A_15 = arith.constant 0 : i32
      %dma_wait3A_16 = tpu.memref_slice %arg4[%mul3A_2, %dma_wait3A_15] : memref<16384x64xf32, #tpu.memory_space<hbm>> -> memref<512x64xf32, #tpu.memory_space<hbm>>
      %dma_wait3A_17 = arith.constant 0 : i32
      %dma_wait3A_18 = tpu.memref_slice %arg4[%mul3A_2, %dma_wait3A_17] : memref<16384x64xf32, #tpu.memory_space<hbm>> -> memref<512x64xf32, #tpu.memory_space<hbm>>
      tpu.wait_dma2 semaphore(%run_scoped3A : memref<!tpu.dma_semaphore, #tpu.memory_space<semaphore_mem>>) src(%arg6 : memref<512x64xf32, #tpu.memory_space<vmem>>) dst(%dma_wait3A_18 : memref<512x64xf32, #tpu.memory_space<hbm>>)
      tpu.yield
    }) : () -> ()
    return
  }
}

</mosaic_0001>

<sc_bundles>
// kernel: kernel.3.cloned.1.call-start
scs
__scs_entry_jumppad:
0x0: {  	(pc) =	sbr.rel $0x88, $3  }
0x1: {  	(tag) =	ssettag $0x0;
	lr =	simm.s32 $0x1  }
0x2: {  	[smem:$0x3F9F] =	sst lr;
	_ =	strace $0xD0000000  }
0x3: {  	_ = 	snop  }
0x4: {  	_ = 	snop  }
0x5: {  	_ = 	snop  }
0x6: {  	_ = 	snop  }
0x7: {  	_ = 	snop  }
__scs_overlays_trampoline_lowered:
0x8: {  	[smem:$0x3FAE] =	sst s0  }
0x9: {  	[smem:$0x3FAF] =	sst s1  }
0xa: {  	[smem:$0x3FB0] =	sst s2  }
0xb: {  	[smem:$0x3FB1] =	sst s3  }
0xc: {  	[smem:$0x3FB2] =	sst s4  }
0xd: {  	[smem:$0x3FB3] =	sst s5  }
0xe: {  	[smem:$0x3FB4] =	sst s6  }
0xf: {  	[smem:$0x3FB5] =	sst s7  }
0x10: {  	[smem:$0x3FB6] =	sst s8  }
0x11: {  	[smem:$0x3FB7] =	sst s9;
	s0 =	simm.s32 @!p0 $0x0  }
0x12: {  	s1 =	sld [smem:$0x3F9D];
	s0 =	simm.s32 @p0 $0x1  }
0x13: {  	[smem:$0x3FB8] =	sst s0;
	s0 =	simm.s32 @!p1 $0x0  }
0x14: {  	s2 =	sld [smem:$0x3F9C];
	s0 =	simm.s32 @p1 $0x1  }
0x15: {  	[smem:$0x3FB9] =	sst s0;
	s0 =	simm.s32 @!p2 $0x0  }
0x16: {  	s3 =	sld [smem:$0x3FDB];
	s0 =	simm.s32 @p2 $0x1  }
0x17: {  	s4 =	simm.s32 $0x1BF5;
	[smem:$0x3FBB] =	sst s0  }
0x18: {  	s0 =	sld [smem:$0x3F9E];
	_ =	swait.ge [sflag:s4], $0x0  }
0x19: {  	s7 =	sld [smem:$0x3F9F]  }
0x1a: {  	s8 =	sadd.s32 $0xFFFFE003, lr  }
0x1b: {  	s9 =	sadd.s32 $0xFFFFFEF7, lr;
	s5 =	simm.s32 $0xFFFFFFFF;
	p2 =	slt.u32 s8, $0xFFFFF086  }
0x1c: {  	p1 =	slt.u32 s9, $0xF7A;
	s5 =	simm.s32 @!p2 $0x0  }
0x1d: {  	s5 =	simm.s32 @p1 $0x1;
	p0 =	seq.s32 s7, s2  }
0x1e: {  	s7 =	smul.u32 @!p0 $0xF7A, s2;
	p2 =	seq.s32 @!p0 s5, $0x0  }
0x1f: {  	s9 =	smul.u32 $0xF7A, s1;
	s8 =	simm.s32 @!p0 $0x1BF5;
	p2 =	por !p2, p0  }
0x20: {  	[sflag:s8] =	ssyncset.s32 @!p0 $0xFFFFF086;
	s6 =	sadd.s32 @!p0 s3, s7;
	s7 =	simm.s32 @!p0 $0x108  }
0x21: {  	s3 =	sadd.s32 s3, s9;
	s6 =	sadd.s32 @!p0 $0x88, s6;
	s7 =	simm.s32 @p2 $0x1082  }
0x22: {  	[simem:s7], [sflag:s8] =	dma.local @!p0 [hbm:s6], $0xF7A  }
0x23: {  	s9 =	sor.u32 $0xD0000000, s2;
	s6 =	simm.s32 $0x108;
	_ =	swait.ge @!p0 [sflag:s8], $0x0  }
0x24: {  	s3 =	sadd.s32 $0x88, s3;
	s6 =	simm.s32 @!p1 $0x1082;
	[sflag:s4] =	ssyncset.s32 $0xFFFFF086  }
0x25: {  	[simem:s6], [sflag:s4] =	dma.local [hbm:s3], $0xF7A  }
0x26: {  	[smem:$0x3F9F] =	sst s1;
	(tag) =	ssettag s2;
	_ =	strace s9  }
0x27: {  	s1 =	sld [smem:$0x3FAF]  }
0x28: {  	s2 =	sld [smem:$0x3FB0]  }
0x29: {  	s4 =	sld [smem:$0x3FB2]  }
0x2a: {  	p0 =	seq.s32 s5, $0x0;
	s5 =	sld [smem:$0x3FB3]  }
0x2b: {  	s6 =	sld [smem:$0x3FB4]  }
0x2c: {  	s7 =	sld [smem:$0x3FB5]  }
0x2d: {  	s3 =	simm.s32 $0x108;
	s8 =	sld [smem:$0x3FB6]  }
0x2e: {  	s3 =	simm.s32 @!p0 $0x1082;
	s9 =	sld [smem:$0x3FB7]  }
0x2f: {  	lr =	sadd.s32 s0, s3;
	s0 =	sld [smem:$0x3FAE]  }
0x30: {  	s3 =	sld [smem:$0x3FB1]  }
0x31: {  	[smem:$0x3FBA] =	sst s10  }
0x32: {  	s10 =	sld [smem:$0x3FB8];
	_ =	sdelay $0x3  }
0x33: {  	p0 =	seq.s32 s10, $0x1;
	s10 =	sld [smem:$0x3FBA];
	_ =	sdelay $0x3  }
0x34: {  	[smem:$0x3FBA] =	sst s10  }
0x35: {  	s10 =	sld [smem:$0x3FB9];
	_ =	sdelay $0x3  }
0x36: {  	p1 =	seq.s32 s10, $0x1;
	s10 =	sld [smem:$0x3FBA];
	_ =	sdelay $0x3  }
0x37: {  	[smem:$0x3FBA] =	sst s10  }
0x38: {  	s10 =	sld [smem:$0x3FBB]  }
0x39: {  	_ = 	snop;
	(pc) =	sbr.ind lr, $3  }
0x3a: {  	_ = 	snop  }
0x3b: {  	_ = 	snop  }
0x3c: {  	p2 =	seq.s32 s10, $0x1;
	s10 =	sld [smem:$0x3FBA]  }
0x3d: {  	_ =	shalt  }
0x3e: {  	_ =	shalt  }
0x3f: {  	_ =	shalt  }
0x40: {  	_ =	shalt  }
0x41: {  	_ =	shalt  }
0x42: {  	_ =	shalt  }
0x43: {  	_ =	shalt  }
0x44: {  	_ =	shalt  }
0x45: {  	_ =	shalt  }
0x46: {  	_ =	shalt  }
0x47: {  	_ =	shalt  }
0x48: {  	_ =	shalt  }
0x49: {  	_ =	shalt  }
0x4a: {  	_ =	shalt  }
0x4b: {  	_ =	shalt  }
0x4c: {  	_ =	shalt  }
0x4d: {  	_ =	shalt  }
0x4e: {  	_ =	shalt  }
0x4f: {  	_ =	shalt  }
0x50: {  	_ =	shalt  }
0x51: {  	_ =	shalt  }
0x52: {  	_ =	shalt  }
0x53: {  	_ =	shalt  }
0x54: {  	_ =	shalt  }
0x55: {  	_ =	shalt  }
0x56: {  	_ =	shalt  }
0x57: {  	_ =	shalt  }
0x58: {  	_ =	shalt  }
0x59: {  	_ =	shalt  }
0x5a: {  	_ =	shalt  }
0x5b: {  	_ =	shalt  }
0x5c: {  	_ =	shalt  }
0x5d: {  	_ =	shalt  }
0x5e: {  	_ =	shalt  }
0x5f: {  	_ =	shalt  }
0x60: {  	_ =	shalt  }
0x61: {  	_ =	shalt  }
0x62: {  	_ =	shalt  }
0x63: {  	_ =	shalt  }
0x64: {  	_ =	shalt  }
0x65: {  	_ =	shalt  }
0x66: {  	_ =	shalt  }
0x67: {  	_ =	shalt  }
0x68: {  	_ =	shalt  }
0x69: {  	_ =	shalt  }
0x6a: {  	_ =	shalt  }
0x6b: {  	_ =	shalt  }
0x6c: {  	_ =	shalt  }
0x6d: {  	_ =	shalt  }
0x6e: {  	_ =	shalt  }
0x6f: {  	_ =	shalt  }
0x70: {  	_ =	shalt  }
0x71: {  	_ =	shalt  }
0x72: {  	_ =	shalt  }
0x73: {  	_ =	shalt  }
0x74: {  	_ =	shalt  }
0x75: {  	_ =	shalt  }
0x76: {  	_ =	shalt  }
0x77: {  	_ =	shalt  }
0x78: {  	_ =	shalt  }
0x79: {  	_ =	shalt  }
0x7a: {  	_ =	shalt  }
0x7b: {  	_ =	shalt  }
0x7c: {  	_ =	shalt  }
0x7d: {  	_ =	shalt  }
0x7e: {  	_ =	shalt  }
0x7f: {  	_ =	shalt  }
0x80: {  	_ =	shalt  }
0x81: {  	_ =	shalt  }
0x82: {  	_ =	shalt  }
0x83: {  	_ =	shalt  }
0x84: {  	_ =	shalt  }
0x85: {  	_ =	shalt  }
0x86: {  	_ =	shalt  }
0x87: {  	_ =	shalt  }
.Lfunc_end0:
.L_simem_size_0:
called_computation_lowered:
.L_overlay_start_0:
0x88: {  	s2 =	sld [smem:$0x3FD9]  }
0x89: {  	s3 =	sld [smem:$0x3FFE];
	_ =	sdelay $0x1  }
0x8a: {  	s1 =	srdreg.scid  }
0x8b: {  	s0 =	sand.u32 $0x1, s1  }
0x8c: {  	s17 =	sshll.u32 s0, $0xA;
	s2 =	sadd.s32 s3, s2  }
0x8d: {  	s2 =	sadd.s32 s2, s17  }
0x8e: {  	[smem:$0x3FC6] =	sst s2  }
0x8f: {  	_ = 	snop  }
0x90: {  	s2 =	sld [smem:$0x3FC9];
	(tm) =	ssettm $0x1  }
0x91: {  	s18 =	sld [smem:$0x3FFB];
	_ =	sdelay $0x3  }
0x92: {  	_ =	strace s18  }
0x93: {  	s3 =	sld [smem:$0x3FFC];
	_ =	sdelay $0x3  }
0x94: {  	_ =	strace s3  }
0x95: {  	s3 =	sld [smem:$0x3FFD];
	_ =	sdelay $0x3  }
0x96: {  	_ =	strace s3  }
0x97: {  	_ =	strace $0x8FFFFFFF  }
0x98: {  	s19 =	sld [smem:$0x3FDB];
	_ =	sdelay $0x1  }
0x99: {  	s4 =	simm.s32 $_scs_section_size  }
0x9a: {  	s5 =	simm.s32 $_size__tile_overlayer_lowered;
	s6 =	simm.s32 $_tile_overlayer_lowered  }
0x9b: {  	s22 =	simm.s32 $0x1BFF;
	s21 =	sshll.u32 s6, $0x1;
	s3 =	sadd.s32 s4, s19  }
0x9c: {  	s7 =	simm.s32 $0x0;
	s20 =	sshll.u32 s5, $0x1;
	s5 =	sadd.s32 s21, s3  }
0x9d: {  	[timem:s7], [sflag:s22] =	dma.local [hbm:s5], s20  }
0x9e: {  	_ =	swait.ge [sflag:s22], s20  }
0x9f: {  	s4 =	ssub.s32 $0x0, s20;
	[sflag:s22] =	ssyncset.done $0x0  }
0xa0: {  	[sflag:s22] =	ssyncadd.s32 s4;
	_ =	sdelay $0x1  }
0xa1: {  	s23 =	simm.s32 $0x1B8B  }
0xa2: {  	_ =	swait.ge [sflag:s23], $0x1  }
0xa3: {  	[sflag:s23] =	ssyncset.done $0x0  }
0xa4: {  	s25 =	simm.s32 $0x1B8E;
	s24 =	sld [smem:$0x3FFE];
	[sflag:s23] =	ssyncadd.s32 $0xFFFFFFFF  }
0xa5: {  	s26 =	simm.s32 $execute0_lowered;
	[smem:$0x3FD2] =	sst s25  }
0xa6: {  	s5 =	sshll.u32 s26, $0x1;
	_ =	strace $0x80000046;
	[dreg:$0x1] =	wrdreg $0xFFFFFFFF  }
0xa7: {  	s28 =	simm.s32 $_size_execute0_lowered;
	s3 =	sadd.s32 s3, s5;
	[dreg:$0x0] =	wrdreg $0x0  }
0xa8: {  	s5 =	sshll.u32 s28, $0x1;
	[dreg:$0x2] =	wrdreg s3  }
0xa9: {  	[dreg:$0x3] =	wrdreg s5  }
0xaa: {  	[dreg:$0x4] =	wrdreg $0xC0  }
0xab: {  	_ =	task [dreg:s7], $0x5FFFF  }
0xac: {  	[dreg:$0x1] =	wrdreg $0xFFFFFFFF  }
0xad: {  	[dreg:$0x0] =	wrdreg $0x60  }
0xae: {  	[dreg:$0x2] =	wrdreg s24  }
0xaf: {  	[dreg:$0x3] =	wrdreg s2  }
0xb0: {  	[dreg:$0x4] =	wrdreg $0x9  }
0xb1: {  	_ =	task.clear_ibuf [dreg:s7], $0x5FFFF;
	_ =	strace $0x90000046  }
0xb2: {  	s29 =	simm.s32 $0x9;
	_ =	strace $0x80000048  }
0xb3: {  	_ =	swait.ge [sflag:s29], $0x1  }
0xb4: {  	[sflag:s29] =	ssyncadd.s32 $0xFFFFFFFF  }
0xb5: {  	_ =	strace $0x90000048  }
0xb6: {  	_ =	sfence  }
0xb7: {  	s30 =	sld [smem:$0x0];
	_ =	sdelay $0x2  }
0xb8: {  	s31 =	sshll.u32 s1, $0xD;
	s1 =	sshrl.u32 s1, $0x2  }
0xb9: {  	s3 =	sand.u32 $0x4000, s31;
	s1 =	sadd.s32 s1, s30  }
0xba: {  	s0 =	sor.u32 s3, s0;
	s1 =	sshll.u32 s1, $0x11  }
0xbb: {  	s0 =	sor.u32 s1, s0  }
0xbc: {  	s0 =	sadd.s32 $0x8F2B, s0  }
0xbd: {  	[sflag:s0] =	ssyncadd.remote.s32 $0x1  }
0xbe: {  	_ =	sfence.sel $0xFFFF  }
0xbf: {  	[dreg:$0x0] =	wrdreg $0xFFFFFFFF;
	(pc) =	sbr.abs _section_cstart, $3  }
0xc0: {  	[dreg:$0x1] =	wrdreg $0xFFFFFFFF  }
0xc1: {  	_ =	task.clear_ibuf [dreg:s7], $0x2FFFF;
	_ =	strace $0x9FFFFFFF  }
0xc2: {  	(tm) =	ssettm $0x7FFFFFFF  }
0xc3: {  	_ =	shalt  }
tec
execute0_lowered:
.L_overlay_start_1:
0x0: {  	(tag) =	ssettag $0x1  }
0x1: {  	s4 =	rddreg [dreg:$0x0]  }
0x2: {  	s5 =	rddreg [dreg:$0x1]  }
0x3: {  	s0 =	rddreg [dreg:$0x2];
	s2 =	simm.s32 $0x0;
	s3 =	srdreg.scid  }
0x4: {  	s1 =	stileid.u32;
	s10 =	simm.s32 $0x0;
	s6 =	sand.u32 $0x1, s3  }
0x5: {  	[smem:$0x7FF] =	sst s2;
	s7 =	sshll.u32 s1, $0xA;
	s8 =	sshll.u32 s6, $0x9  }
0x6: {  	s3 =	sadd.s32 $0x400, s4;
	s6 =	ssub.s32 $0x2, s6;
	s7 =	sor.u32 s8, s7  }
0x7: {  	_ =	strace $0x80000047;
	s9 =	sshrl.u32 s6, $0x1;
	s8 =	sshll.u32 s7, $0x4  }
0x8: {  	s7 =	sshrl.u32 s7, $0x3;
	s6 =	ssub.s32 s6, s9;
	s9 =	simm.s32 $0x200  }
0x9: {  	s8 =	sadd.s32 s8, s4;
	s4 =	sadd.s32 s5, s7;
	s6 =	smax.u32 s6, $0x1  }
0xa: {  	s7 =	simm.s32 $0x2;
	s5 =	sadd.s32 $0x186E00, s8;
	s8 =	simm.s32 $0x1  }
.LBB2_1:
0xb: {  	[tilespmem:s2], [sflag:$0x2] =	stream.linear.gather [hbm4b:s4+s2], $0x200, $0x38;
	[tilespmem:$0x10200] =	vst v63  }
0xc: {  	_ =	swait.ge [sflag:s7], $0x200  }
0xd: {  	[sflag:s7] =	ssyncset.done $0x0  }
0xe: {  	s11 =	simm.s32 $0x10;
	[sflag:s7] =	ssyncadd.s32 $0xFFFFFE00  }
0xf: {  	v0 =	vld [tilespmem:s11+$0xFFFFFFF0];
	_ =	sdelay $0x4  }
0x10: {  	v0 =	vshll.u32 v0, $0x4  }
0x11: {  	(v2sf) =	vpush v0, $0x0  }
0x12: {  	(v2sf) =	vpush v0, $0x1  }
0x13: {  	(v2sf) =	vpush v0, $0x2;
	_ =	sdelay $0x1  }
0x14: {  	(v2sf) =	vpush v0, $0x3;
	_ =	sdelay $0x1  }
0x15: {  	(v2sf) =	vpush v0, $0x4;
	_ =	sdelay $0x1  }
0x16: {  	(v2sf) =	vpush v0, $0x5;
	_ =	sdelay $0x1  }
0x17: {  	(v2sf) =	vpush v0, $0x6  }
0x18: {  	s13 =	simm.s32 $0x800;
	s12 =	simm.s32 $0x880  }
0x19: {  	s16 =	simm.s32 $0x680;
	s15 =	simm.s32 $0x700;
	s14 =	simm.s32 $0x780;
	(v2sf) =	vpush v0, $0x7  }
0x1a: {  	s17 =	simm.s32 $0x500;
	s18 =	simm.s32 $0x580;
	s19 =	simm.s32 $0x600  }
0x1b: {  	s20 =	simm.s32 $0x380;
	s21 =	simm.s32 $0x400;
	s22 =	simm.s32 $0x480;
	(v2sf) =	vpush v0, $0x8  }
0x1c: {  	s23 =	simm.s32 $0x280;
	s24 =	simm.s32 $0x300;
	s25 =	spop (v2sf)  }
0x1d: {  	s26 =	simm.s32 $0x200;
	s25 =	sand.u32 $0x1FFFFFF0, s25;
	s28 =	spop (v2sf);
	(v2sf) =	vpush v0, $0x9  }
0x1e: {  	s25 =	sadd.s32 s3, s25;
	s28 =	sand.u32 $0x1FFFFFF0, s28;
	s29 =	spop (v2sf)  }
0x1f: {  	(v2sf) =	vpush v0, $0xA;
	[tilespmem:s26], [sflag:$0x1] =	stream.linear.gather [hbm4b:s25+s2], $0x80, $0x38;
	[tilespmem:$0x10200] =	vst v63  }
0x20: {  	s26 =	sadd.s32 s3, s28;
	s30 =	sand.u32 $0x1FFFFFF0, s29;
	s31 =	spop (v2sf)  }
0x21: {  	(v2sf) =	vpush v0, $0xB;
	[tilespmem:s23], [sflag:$0x1] =	stream.linear.gather [hbm4b:s26+s2], $0x80, $0x38;
	[tilespmem:$0x10200] =	vst v63  }
0x22: {  	s29 =	sadd.s32 s3, s30;
	s30 =	sand.u32 $0x1FFFFFF0, s31;
	s31 =	spop (v2sf)  }
0x23: {  	(v2sf) =	vpush v0, $0xC;
	[tilespmem:s24], [sflag:$0x1] =	stream.linear.gather [hbm4b:s29+s2], $0x80, $0x38;
	[tilespmem:$0x10200] =	vst v63  }
0x24: {  	s25 =	sadd.s32 s3, s30;
	s26 =	sand.u32 $0x1FFFFFF0, s31;
	s28 =	spop (v2sf)  }
0x25: {  	(v2sf) =	vpush v0, $0xD;
	[tilespmem:s20], [sflag:$0x1] =	stream.linear.gather [hbm4b:s25+s2], $0x80, $0x38;
	[tilespmem:$0x10200] =	vst v63  }
0x26: {  	s30 =	sand.u32 $0x1FFFFFF0, s28;
	s31 =	spop (v2sf);
	s29 =	sadd.s32 s3, s26  }
0x27: {  	(v2sf) =	vpush v0, $0xE;
	[tilespmem:s21], [sflag:$0x1] =	stream.linear.gather [hbm4b:s29+s2], $0x80, $0x38;
	[tilespmem:$0x10200] =	vst v63  }
0x28: {  	s23 =	sand.u32 $0x1FFFFFF0, s31;
	s24 =	spop (v2sf);
	s21 =	sadd.s32 s3, s30  }
0x29: {  	(v2sf) =	vpush v0, $0xF;
	[tilespmem:s22], [sflag:$0x1] =	stream.linear.gather [hbm4b:s21+s2], $0x80, $0x38;
	[tilespmem:$0x10200] =	vst v63  }
0x2a: {  	s26 =	sand.u32 $0x1FFFFFF0, s24;
	s28 =	spop (v2sf);
	s25 =	sadd.s32 s3, s23  }
0x2b: {  	[tilespmem:s17], [sflag:$0x1] =	stream.linear.gather [hbm4b:s25+s2], $0x80, $0x38;
	[tilespmem:$0x10200] =	vst v63  }
0x2c: {  	s29 =	sadd.s32 s3, s26;
	s30 =	sand.u32 $0x1FFFFFF0, s28;
	s31 =	spop (v2sf)  }
0x2d: {  	[tilespmem:s18], [sflag:$0x1] =	stream.linear.gather [hbm4b:s29+s2], $0x80, $0x38;
	[tilespmem:$0x10200] =	vst v63  }
0x2e: {  	s18 =	sadd.s32 s3, s30;
	s20 =	sand.u32 $0x1FFFFFF0, s31;
	s21 =	spop (v2sf)  }
0x2f: {  	[tilespmem:s19], [sflag:$0x1] =	stream.linear.gather [hbm4b:s18+s2], $0x80, $0x38;
	[tilespmem:$0x10200] =	vst v63  }
0x30: {  	s22 =	sadd.s32 s3, s20;
	s23 =	sand.u32 $0x1FFFFFF0, s21;
	s24 =	spop (v2sf)  }
0x31: {  	[tilespmem:s16], [sflag:$0x1] =	stream.linear.gather [hbm4b:s22+s2], $0x80, $0x38;
	[tilespmem:$0x10200] =	vst v63  }
0x32: {  	s25 =	sadd.s32 s3, s23;
	s26 =	sand.u32 $0x1FFFFFF0, s24;
	s28 =	spop (v2sf)  }
0x33: {  	[tilespmem:s15], [sflag:$0x1] =	stream.linear.gather [hbm4b:s25+s2], $0x80, $0x38;
	[tilespmem:$0x10200] =	vst v63  }
0x34: {  	s29 =	sadd.s32 s3, s26;
	s30 =	sand.u32 $0x1FFFFFF0, s28;
	s31 =	spop (v2sf)  }
0x35: {  	[tilespmem:s14], [sflag:$0x1] =	stream.linear.gather [hbm4b:s29+s2], $0x80, $0x38;
	[tilespmem:$0x10200] =	vst v63  }
0x36: {  	s16 =	sand.u32 $0x1FFFFFF0, s31;
	s17 =	spop (v2sf);
	s15 =	sadd.s32 s3, s30  }
0x37: {  	[tilespmem:s13], [sflag:$0x1] =	stream.linear.gather [hbm4b:s15+s2], $0x80, $0x38;
	[tilespmem:$0x10200] =	vst v63  }
0x38: {  	s18 =	sadd.s32 s3, s16;
	s19 =	sand.u32 $0x1FFFFFF0, s17;
	s20 =	spop (v2sf)  }
0x39: {  	[tilespmem:s12], [sflag:$0x1] =	stream.linear.gather [hbm4b:s18+s2], $0x80, $0x38;
	[tilespmem:$0x10200] =	vst v63  }
0x3a: {  	s21 =	simm.s32 $0x900;
	s22 =	sadd.s32 s3, s19;
	s23 =	sand.u32 $0x1FFFFFF0, s20  }
0x3b: {  	[tilespmem:s21], [sflag:$0x1] =	stream.linear.gather [hbm4b:s22+s2], $0x80, $0x38;
	[tilespmem:$0x10200] =	vst v63  }
0x3c: {  	s24 =	simm.s32 $0x980;
	s25 =	sadd.s32 s3, s23  }
0x3d: {  	[tilespmem:s24], [sflag:$0x1] =	stream.linear.gather [hbm4b:s25+s2], $0x80, $0x38;
	[tilespmem:$0x10200] =	vst v63  }
0x3e: {  	v63 =	vld [tilespmem:s11+$0x0];
	_ =	sdelay $0x4  }
0x3f: {  	v0 =	vshll.u32 v63, $0x4  }
0x40: {  	(v2sf) =	vpush v0, $0x0  }
0x41: {  	(v2sf) =	vpush v0, $0x1  }
0x42: {  	(v2sf) =	vpush v0, $0x2;
	_ =	sdelay $0x1  }
0x43: {  	(v2sf) =	vpush v0, $0x3;
	_ =	sdelay $0x1  }
0x44: {  	(v2sf) =	vpush v0, $0x4;
	_ =	sdelay $0x1  }
0x45: {  	(v2sf) =	vpush v0, $0x5;
	_ =	sdelay $0x1  }
0x46: {  	(v2sf) =	vpush v0, $0x6  }
0x47: {  	s26 =	simm.s32 $0xA00  }
0x48: {  	s16 =	simm.s32 $0xE00;
	s17 =	simm.s32 $0xE80;
	s19 =	simm.s32 $0xC80;
	(v2sf) =	vpush v0, $0x7  }
0x49: {  	s20 =	simm.s32 $0xD00;
	s29 =	simm.s32 $0xA80;
	s14 =	simm.s32 $0x1180  }
0x4a: {  	s13 =	simm.s32 $0xF00;
	s15 =	simm.s32 $0xD80;
	s12 =	simm.s32 $0xF80;
	(v2sf) =	vpush v0, $0x8  }
0x4b: {  	s18 =	simm.s32 $0xC00;
	s21 =	simm.s32 $0xB00;
	s28 =	spop (v2sf)  }
0x4c: {  	s22 =	simm.s32 $0xB80;
	(v2sf) =	vpush v0, $0x9;
	s23 =	sand.u32 $0x1FFFFFF0, s28;
	s30 =	spop (v2sf)  }
0x4d: {  	(v2sf) =	vpush v0, $0xA;
	s23 =	sadd.s32 s3, s23;
	s25 =	sand.u32 $0x1FFFFFF0, s30;
	s31 =	spop (v2sf)  }
0x4e: {  	[tilespmem:s26], [sflag:$0x1] =	stream.linear.gather [hbm4b:s23+s2], $0x80, $0x38;
	[tilespmem:$0x10200] =	vst v63  }
0x4f: {  	(v2sf) =	vpush v0, $0xB;
	s25 =	sadd.s32 s3, s25;
	s26 =	sand.u32 $0x1FFFFFF0, s31;
	s28 =	spop (v2sf)  }
0x50: {  	[tilespmem:s29], [sflag:$0x1] =	stream.linear.gather [hbm4b:s25+s2], $0x80, $0x38;
	[tilespmem:$0x10200] =	vst v63  }
0x51: {  	s30 =	sand.u32 $0x1FFFFFF0, s28;
	s31 =	spop (v2sf);
	s29 =	sadd.s32 s3, s26  }
0x52: {  	[tilespmem:s21], [sflag:$0x1] =	stream.linear.gather [hbm4b:s29+s2], $0x80, $0x38;
	[tilespmem:$0x10200] =	vst v63  }
0x53: {  	(v2sf) =	vpush v0, $0xC;
	s23 =	sand.u32 $0x1FFFFFF0, s31;
	s24 =	spop (v2sf);
	s21 =	sadd.s32 s3, s30  }
0x54: {  	(v2sf) =	vpush v0, $0xD;
	[tilespmem:s22], [sflag:$0x1] =	stream.linear.gather [hbm4b:s21+s2], $0x80, $0x38;
	[tilespmem:$0x10200] =	vst v63  }
0x55: {  	s25 =	sadd.s32 s3, s23;
	s26 =	sand.u32 $0x1FFFFFF0, s24;
	s28 =	spop (v2sf)  }
0x56: {  	(v2sf) =	vpush v0, $0xE;
	[tilespmem:s18], [sflag:$0x1] =	stream.linear.gather [hbm4b:s25+s2], $0x80, $0x38;
	[tilespmem:$0x10200] =	vst v63  }
0x57: {  	s29 =	sadd.s32 s3, s26;
	s30 =	sand.u32 $0x1FFFFFF0, s28;
	s31 =	spop (v2sf)  }
0x58: {  	(v2sf) =	vpush v0, $0xF;
	[tilespmem:s19], [sflag:$0x1] =	stream.linear.gather [hbm4b:s29+s2], $0x80, $0x38;
	[tilespmem:$0x10200] =	vst v63  }
0x59: {  	s11 =	simm.s32 $0x1000;
	s21 =	spop (v2sf);
	s18 =	sadd.s32 s3, s30  }
0x5a: {  	[tilespmem:s20], [sflag:$0x1] =	stream.linear.gather [hbm4b:s18+s2], $0x80, $0x38;
	[tilespmem:$0x10200] =	vst v63  }
0x5b: {  	s23 =	sand.u32 $0x1FFFFFF0, s21;
	s19 =	sand.u32 $0x1FFFFFF0, s31;
	s24 =	spop (v2sf)  }
0x5c: {  	s25 =	sadd.s32 s3, s23;
	s22 =	sadd.s32 s3, s19;
	s28 =	spop (v2sf)  }
0x5d: {  	[tilespmem:s15], [sflag:$0x1] =	stream.linear.gather [hbm4b:s22+s2], $0x80, $0x38;
	[tilespmem:$0x10200] =	vst v63  }
0x5e: {  	s26 =	sand.u32 $0x1FFFFFF0, s24;
	s24 =	simm.s32 $0x1080;
	s31 =	spop (v2sf)  }
0x5f: {  	[tilespmem:s16], [sflag:$0x1] =	stream.linear.gather [hbm4b:s25+s2], $0x80, $0x38;
	[tilespmem:$0x10200] =	vst v63  }
0x60: {  	s29 =	sadd.s32 s3, s26;
	s30 =	sand.u32 $0x1FFFFFF0, s28;
	s16 =	sand.u32 $0x1FFFFFF0, s31  }
0x61: {  	[tilespmem:s17], [sflag:$0x1] =	stream.linear.gather [hbm4b:s29+s2], $0x80, $0x38;
	[tilespmem:$0x10200] =	vst v63  }
0x62: {  	s15 =	sadd.s32 s3, s30;
	s18 =	sadd.s32 s3, s16;
	s17 =	spop (v2sf)  }
0x63: {  	s29 =	simm.s32 $0x1100;
	s19 =	sand.u32 $0x1FFFFFF0, s17;
	s20 =	spop (v2sf)  }
0x64: {  	[tilespmem:s13], [sflag:$0x1] =	stream.linear.gather [hbm4b:s15+s2], $0x80, $0x38;
	[tilespmem:$0x10200] =	vst v63  }
0x65: {  	s21 =	sadd.s32 s3, s19;
	s22 =	sand.u32 $0x1FFFFFF0, s20;
	s23 =	spop (v2sf)  }
0x66: {  	[tilespmem:s12], [sflag:$0x1] =	stream.linear.gather [hbm4b:s18+s2], $0x80, $0x38;
	[tilespmem:$0x10200] =	vst v63  }
0x67: {  	s13 =	simm.s32 $0x1A00;
	s26 =	sand.u32 $0x1FFFFFF0, s23;
	s28 =	spop (v2sf)  }
0x68: {  	[tilespmem:s11], [sflag:$0x1] =	stream.linear.gather [hbm4b:s21+s2], $0x80, $0x38;
	[tilespmem:$0x10200] =	vst v63  }
0x69: {  	s25 =	sadd.s32 s3, s22;
	s30 =	sadd.s32 s3, s26;
	s31 =	sand.u32 $0x1FFFFFF0, s28  }
0x6a: {  	[tilespmem:s24], [sflag:$0x1] =	stream.linear.gather [hbm4b:s25+s2], $0x80, $0x38;
	[tilespmem:$0x10200] =	vst v63  }
0x6b: {  	s12 =	simm.s32 $0x30;
	s15 =	sadd.s32 s3, s31;
	s11 =	simm.s32 $0x0  }
0x6c: {  	[tilespmem:s29], [sflag:$0x1] =	stream.linear.gather [hbm4b:s30+s2], $0x80, $0x38;
	[tilespmem:$0x10200] =	vst v63  }
.LBB2_2:
0x6d: {  	[tilespmem:s14], [sflag:$0x1] =	stream.linear.gather [hbm4b:s15+s2], $0x80, $0x38;
	[tilespmem:$0x10200] =	vst v63  }
0x6e: {  	s11 =	sadd.s32 $0x2, s11  }
0x6f: {  	p0 =	slt.u32 s11, $0x1E;
	v0 =	vld [tilespmem:s12+$0xFFFFFFF0];
	_ =	sdelay $0x4  }
0x70: {  	v0 =	vshll.u32 v0, $0x4  }
0x71: {  	(v2sf) =	vpush v0, $0x0  }
0x72: {  	(v2sf) =	vpush v0, $0x1  }
0x73: {  	(v2sf) =	vpush v0, $0x2;
	_ =	sdelay $0x1  }
0x74: {  	(v2sf) =	vpush v0, $0x3;
	_ =	sdelay $0x1  }
0x75: {  	(v2sf) =	vpush v0, $0x4;
	_ =	sdelay $0x1  }
0x76: {  	(v2sf) =	vpush v0, $0x5;
	_ =	sdelay $0x1  }
0x77: {  	(v2sf) =	vpush v0, $0x6  }
0x78: {  	s15 =	sadd.s32 $0xFFFFFE00, s13;
	s14 =	sadd.s32 $0xFFFFFE80, s13  }
0x79: {  	s18 =	sadd.s32 $0xFFFFFC80, s13;
	s17 =	sadd.s32 $0xFFFFFD00, s13;
	s16 =	sadd.s32 $0xFFFFFD80, s13;
	(v2sf) =	vpush v0, $0x7  }
0x7a: {  	s21 =	sadd.s32 $0xFFFFFB00, s13;
	s20 =	sadd.s32 $0xFFFFFB80, s13;
	s19 =	sadd.s32 $0xFFFFFC00, s13  }
0x7b: {  	s22 =	sadd.s32 $0xFFFFF980, s13;
	s23 =	sadd.s32 $0xFFFFFA00, s13;
	s24 =	sadd.s32 $0xFFFFFA80, s13;
	(v2sf) =	vpush v0, $0x8  }
0x7c: {  	s25 =	sadd.s32 $0xFFFFF880, s13;
	s26 =	sadd.s32 $0xFFFFF900, s13;
	s28 =	spop (v2sf)  }
0x7d: {  	s29 =	sadd.s32 $0xFFFFF800, s13;
	s28 =	sand.u32 $0x1FFFFFF0, s28;
	s30 =	spop (v2sf);
	(v2sf) =	vpush v0, $0x9  }
0x7e: {  	s28 =	sadd.s32 s3, s28;
	s30 =	sand.u32 $0x1FFFFFF0, s30;
	s31 =	spop (v2sf)  }
0x7f: {  	[tilespmem:s29], [sflag:$0x1] =	stream.linear.gather [hbm4b:s28+s2], $0x80, $0x38;
	(v2sf) =	vpush v0, $0xA;
	[tilespmem:$0x10200] =	vst v63  }
0x80: {  	s28 =	sadd.s32 s3, s30;
	s29 =	sand.u32 $0x1FFFFFF0, s31;
	s30 =	spop (v2sf)  }
0x81: {  	[tilespmem:s25], [sflag:$0x1] =	stream.linear.gather [hbm4b:s28+s2], $0x80, $0x38;
	(v2sf) =	vpush v0, $0xB;
	[tilespmem:$0x10200] =	vst v63  }
0x82: {  	s25 =	sadd.s32 s3, s29;
	s28 =	sand.u32 $0x1FFFFFF0, s30;
	s29 =	spop (v2sf)  }
0x83: {  	[tilespmem:s26], [sflag:$0x1] =	stream.linear.gather [hbm4b:s25+s2], $0x80, $0x38;
	(v2sf) =	vpush v0, $0xC;
	[tilespmem:$0x10200] =	vst v63  }
0x84: {  	s25 =	sadd.s32 s3, s28;
	s26 =	sand.u32 $0x1FFFFFF0, s29;
	s28 =	spop (v2sf)  }
0x85: {  	[tilespmem:s22], [sflag:$0x1] =	stream.linear.gather [hbm4b:s25+s2], $0x80, $0x38;
	(v2sf) =	vpush v0, $0xD;
	[tilespmem:$0x10200] =	vst v63  }
0x86: {  	s22 =	sadd.s32 s3, s26;
	s25 =	sand.u32 $0x1FFFFFF0, s28;
	s26 =	spop (v2sf)  }
0x87: {  	[tilespmem:s23], [sflag:$0x1] =	stream.linear.gather [hbm4b:s22+s2], $0x80, $0x38;
	(v2sf) =	vpush v0, $0xE;
	[tilespmem:$0x10200] =	vst v63  }
0x88: {  	s22 =	sadd.s32 s3, s25;
	s23 =	sand.u32 $0x1FFFFFF0, s26;
	s25 =	spop (v2sf)  }
0x89: {  	[tilespmem:s24], [sflag:$0x1] =	stream.linear.gather [hbm4b:s22+s2], $0x80, $0x38;
	(v2sf) =	vpush v0, $0xF;
	[tilespmem:$0x10200] =	vst v63  }
0x8a: {  	s22 =	sadd.s32 s3, s23;
	s23 =	sand.u32 $0x1FFFFFF0, s25;
	s24 =	spop (v2sf)  }
0x8b: {  	[tilespmem:s21], [sflag:$0x1] =	stream.linear.gather [hbm4b:s22+s2], $0x80, $0x38;
	[tilespmem:$0x10200] =	vst v63  }
0x8c: {  	s21 =	sadd.s32 s3, s23;
	s22 =	sand.u32 $0x1FFFFFF0, s24;
	s23 =	spop (v2sf)  }
0x8d: {  	[tilespmem:s20], [sflag:$0x1] =	stream.linear.gather [hbm4b:s21+s2], $0x80, $0x38;
	[tilespmem:$0x10200] =	vst v63  }
0x8e: {  	s20 =	sadd.s32 s3, s22;
	s21 =	sand.u32 $0x1FFFFFF0, s23;
	s22 =	spop (v2sf)  }
0x8f: {  	[tilespmem:s19], [sflag:$0x1] =	stream.linear.gather [hbm4b:s20+s2], $0x80, $0x38;
	[tilespmem:$0x10200] =	vst v63  }
0x90: {  	s19 =	sadd.s32 s3, s21;
	s20 =	sand.u32 $0x1FFFFFF0, s22;
	s21 =	spop (v2sf)  }
0x91: {  	[tilespmem:s18], [sflag:$0x1] =	stream.linear.gather [hbm4b:s19+s2], $0x80, $0x38;
	[tilespmem:$0x10200] =	vst v63  }
0x92: {  	s18 =	sadd.s32 s3, s20;
	s19 =	sand.u32 $0x1FFFFFF0, s21;
	s20 =	spop (v2sf)  }
0x93: {  	[tilespmem:s17], [sflag:$0x1] =	stream.linear.gather [hbm4b:s18+s2], $0x80, $0x38;
	[tilespmem:$0x10200] =	vst v63  }
0x94: {  	s17 =	sadd.s32 s3, s19;
	s18 =	sand.u32 $0x1FFFFFF0, s20;
	s19 =	spop (v2sf)  }
0x95: {  	[tilespmem:s16], [sflag:$0x1] =	stream.linear.gather [hbm4b:s17+s2], $0x80, $0x38;
	[tilespmem:$0x10200] =	vst v63  }
0x96: {  	s16 =	sadd.s32 s3, s18;
	s17 =	sand.u32 $0x1FFFFFF0, s19;
	s18 =	spop (v2sf)  }
0x97: {  	[tilespmem:s15], [sflag:$0x1] =	stream.linear.gather [hbm4b:s16+s2], $0x80, $0x38;
	[tilespmem:$0x10200] =	vst v63  }
0x98: {  	s15 =	sadd.s32 s3, s17;
	s16 =	sand.u32 $0x1FFFFFF0, s18;
	s17 =	spop (v2sf)  }
0x99: {  	[tilespmem:s14], [sflag:$0x1] =	stream.linear.gather [hbm4b:s15+s2], $0x80, $0x38;
	[tilespmem:$0x10200] =	vst v63  }
0x9a: {  	s14 =	sadd.s32 $0xFFFFFF00, s13;
	s15 =	sadd.s32 s3, s16;
	s16 =	sand.u32 $0x1FFFFFF0, s17  }
0x9b: {  	[tilespmem:s14], [sflag:$0x1] =	stream.linear.gather [hbm4b:s15+s2], $0x80, $0x38;
	[tilespmem:$0x10200] =	vst v63  }
0x9c: {  	s14 =	sadd.s32 $0xFFFFFF80, s13;
	s15 =	sadd.s32 s3, s16  }
0x9d: {  	[tilespmem:s14], [sflag:$0x1] =	stream.linear.gather [hbm4b:s15+s2], $0x80, $0x38;
	[tilespmem:$0x10200] =	vst v63  }
0x9e: {  	v0 =	vld [tilespmem:s12+$0x0];
	_ =	sdelay $0x4  }
0x9f: {  	v0 =	vshll.u32 v0, $0x4  }
0xa0: {  	(v2sf) =	vpush v0, $0x0  }
0xa1: {  	(v2sf) =	vpush v0, $0x1  }
0xa2: {  	(v2sf) =	vpush v0, $0x2;
	_ =	sdelay $0x1  }
0xa3: {  	(v2sf) =	vpush v0, $0x3;
	_ =	sdelay $0x1  }
0xa4: {  	(v2sf) =	vpush v0, $0x4;
	_ =	sdelay $0x1  }
0xa5: {  	(v2sf) =	vpush v0, $0x5;
	_ =	sdelay $0x1  }
0xa6: {  	(v2sf) =	vpush v0, $0x6  }
0xa7: {  	s14 =	sadd.s32 $0x680, s13;
	s12 =	sadd.s32 $0x20, s12  }
0xa8: {  	s17 =	sadd.s32 $0x500, s13;
	s16 =	sadd.s32 $0x580, s13;
	s15 =	sadd.s32 $0x600, s13;
	(v2sf) =	vpush v0, $0x7  }
0xa9: {  	s20 =	sadd.s32 $0x380, s13;
	s19 =	sadd.s32 $0x400, s13;
	s18 =	sadd.s32 $0x480, s13  }
0xaa: {  	s23 =	sadd.s32 $0x300, s13;
	s22 =	sadd.s32 $0x280, s13;
	s21 =	sadd.s32 $0x200, s13;
	(v2sf) =	vpush v0, $0x8  }
0xab: {  	s25 =	sadd.s32 $0x180, s13;
	s24 =	sadd.s32 $0x100, s13;
	s26 =	spop (v2sf)  }
0xac: {  	s28 =	sadd.s32 $0x80, s13;
	s26 =	sand.u32 $0x1FFFFFF0, s26;
	s29 =	spop (v2sf);
	(v2sf) =	vpush v0, $0x9  }
0xad: {  	s26 =	sadd.s32 s3, s26;
	s29 =	sand.u32 $0x1FFFFFF0, s29;
	s30 =	spop (v2sf)  }
0xae: {  	[tilespmem:s13], [sflag:$0x1] =	stream.linear.gather [hbm4b:s26+s2], $0x80, $0x38;
	(v2sf) =	vpush v0, $0xA;
	[tilespmem:$0x10200] =	vst v63  }
0xaf: {  	s26 =	sadd.s32 s3, s29;
	s29 =	sand.u32 $0x1FFFFFF0, s30;
	s30 =	spop (v2sf)  }
0xb0: {  	[tilespmem:s28], [sflag:$0x1] =	stream.linear.gather [hbm4b:s26+s2], $0x80, $0x38;
	(v2sf) =	vpush v0, $0xB;
	[tilespmem:$0x10200] =	vst v63  }
0xb1: {  	s26 =	sadd.s32 s3, s29;
	s28 =	sand.u32 $0x1FFFFFF0, s30;
	s29 =	spop (v2sf)  }
0xb2: {  	[tilespmem:s24], [sflag:$0x1] =	stream.linear.gather [hbm4b:s26+s2], $0x80, $0x38;
	(v2sf) =	vpush v0, $0xC;
	[tilespmem:$0x10200] =	vst v63  }
0xb3: {  	s24 =	sadd.s32 s3, s28;
	s26 =	sand.u32 $0x1FFFFFF0, s29;
	s28 =	spop (v2sf)  }
0xb4: {  	[tilespmem:s25], [sflag:$0x1] =	stream.linear.gather [hbm4b:s24+s2], $0x80, $0x38;
	(v2sf) =	vpush v0, $0xD;
	[tilespmem:$0x10200] =	vst v63  }
0xb5: {  	s24 =	sadd.s32 s3, s26;
	s25 =	sand.u32 $0x1FFFFFF0, s28;
	s26 =	spop (v2sf)  }
0xb6: {  	[tilespmem:s21], [sflag:$0x1] =	stream.linear.gather [hbm4b:s24+s2], $0x80, $0x38;
	(v2sf) =	vpush v0, $0xE;
	[tilespmem:$0x10200] =	vst v63  }
0xb7: {  	s21 =	sadd.s32 s3, s25;
	s24 =	sand.u32 $0x1FFFFFF0, s26;
	s25 =	spop (v2sf)  }
0xb8: {  	[tilespmem:s22], [sflag:$0x1] =	stream.linear.gather [hbm4b:s21+s2], $0x80, $0x38;
	(v2sf) =	vpush v0, $0xF;
	[tilespmem:$0x10200] =	vst v63  }
0xb9: {  	s21 =	sadd.s32 s3, s24;
	s22 =	sand.u32 $0x1FFFFFF0, s25;
	s24 =	spop (v2sf)  }
0xba: {  	[tilespmem:s23], [sflag:$0x1] =	stream.linear.gather [hbm4b:s21+s2], $0x80, $0x38;
	[tilespmem:$0x10200] =	vst v63  }
0xbb: {  	s21 =	sadd.s32 s3, s22;
	s22 =	sand.u32 $0x1FFFFFF0, s24;
	s23 =	spop (v2sf)  }
0xbc: {  	[tilespmem:s20], [sflag:$0x1] =	stream.linear.gather [hbm4b:s21+s2], $0x80, $0x38;
	[tilespmem:$0x10200] =	vst v63  }
0xbd: {  	s20 =	sadd.s32 s3, s22;
	s21 =	sand.u32 $0x1FFFFFF0, s23;
	s22 =	spop (v2sf)  }
0xbe: {  	[tilespmem:s19], [sflag:$0x1] =	stream.linear.gather [hbm4b:s20+s2], $0x80, $0x38;
	[tilespmem:$0x10200] =	vst v63  }
0xbf: {  	s19 =	sadd.s32 s3, s21;
	s20 =	sand.u32 $0x1FFFFFF0, s22;
	s21 =	spop (v2sf)  }
0xc0: {  	[tilespmem:s18], [sflag:$0x1] =	stream.linear.gather [hbm4b:s19+s2], $0x80, $0x38;
	[tilespmem:$0x10200] =	vst v63  }
0xc1: {  	s18 =	sadd.s32 s3, s20;
	s19 =	sand.u32 $0x1FFFFFF0, s21;
	s20 =	spop (v2sf)  }
0xc2: {  	[tilespmem:s17], [sflag:$0x1] =	stream.linear.gather [hbm4b:s18+s2], $0x80, $0x38;
	[tilespmem:$0x10200] =	vst v63  }
0xc3: {  	s17 =	sadd.s32 s3, s19;
	s18 =	sand.u32 $0x1FFFFFF0, s20;
	s19 =	spop (v2sf)  }
0xc4: {  	[tilespmem:s16], [sflag:$0x1] =	stream.linear.gather [hbm4b:s17+s2], $0x80, $0x38;
	[tilespmem:$0x10200] =	vst v63  }
0xc5: {  	s16 =	sadd.s32 s3, s18;
	s17 =	sand.u32 $0x1FFFFFF0, s19;
	s18 =	spop (v2sf)  }
0xc6: {  	[tilespmem:s15], [sflag:$0x1] =	stream.linear.gather [hbm4b:s16+s2], $0x80, $0x38;
	[tilespmem:$0x10200] =	vst v63  }
0xc7: {  	s15 =	sadd.s32 s3, s17  }
.Ltmp0:
0xc8: {  	s16 =	sand.u32 $0x1FFFFFF0, s18;
	s17 =	spop (v2sf);
	(pc) =	sbr.rel @p0 .LBB2_2-.Ltmp0, $4  }
0xc9: {  	[tilespmem:s14], [sflag:$0x1] =	stream.linear.gather [hbm4b:s15+s2], $0x80, $0x38;
	[tilespmem:$0x10200] =	vst v63  }
0xca: {  	s14 =	sadd.s32 $0x700, s13;
	s15 =	sadd.s32 s3, s16;
	s16 =	sand.u32 $0x1FFFFFF0, s17  }
0xcb: {  	[tilespmem:s14], [sflag:$0x1] =	stream.linear.gather [hbm4b:s15+s2], $0x80, $0x38;
	[tilespmem:$0x10200] =	vst v63  }
0xcc: {  	s14 =	sadd.s32 $0x780, s13;
	s15 =	sadd.s32 s3, s16;
	s13 =	sadd.s32 $0x1000, s13  }
0xcd: {  	[tilespmem:s14], [sflag:$0x1] =	stream.linear.gather [hbm4b:s15+s2], $0x80, $0x38;
	[tilespmem:$0x10200] =	vst v63  }
0xce: {  	s10 =	sadd.s32 $0x1, s10;
	_ =	swait.ge [sflag:s8], $0x10000  }
0xcf: {  	p0 =	sne.s32 s10, s6;
	[sflag:s8] =	ssyncset.done $0x0  }
.Ltmp1:
0xd0: {  	[sflag:s8] =	ssyncadd.s32 $0xFFFF0000;
	(pc) =	sbr.rel @p0 .LBB2_1-.Ltmp1, $4  }
0xd1: {  	[hbm4b:s5+s2] =	stream.linear.scatter [tilespmem:s9], [sflag:$0x2], $0x10000, $0x38;
	[tilespmem:$0x10200] =	vst v63  }
0xd2: {  	_ =	swait.ge [sflag:s7], $0x10000  }
0xd3: {  	[sflag:s7] =	ssyncset.done $0x0  }
0xd4: {  	[sflag:s7] =	ssyncadd.s32 $0xFFFF0000  }
0xd5: {  	_ =	sfence.sel $0x180000  }
0xd6: {  	[bflag:$0x0] =	sbarrier.arrive $0xFFFF  }
0xd7: {  	p0 =	sne.s32 s1, $0x0;
	_ =	strace $0x90000047  }
0xd8: {  	s0 =	sadd.s32 @!p0 $0x100000, s0;
	[bflag:$0x2] =	sbarrier.arrive $0xFFFF  }
0xd9: {  	[sflag:s0] =	ssyncadd.tile.s32 @!p0 $0x1;
	_ =	shalt  }
.Lfunc_end2:
_tile_overlayer_lowered:
.L_overlay_start_2:
0xda: {  	(tag) =	ssettag $0x2  }
0xdb: {  	s0 =	rddreg [dreg:$0x0];
	s2 =	stileid.u32  }
0xdc: {  	s1 =	rddreg [dreg:$0x1];
	p0 =	sne.s32 s2, $0x0  }
0xdd: {  	s3 =	rddreg [dreg:$0x2];
	[bflag:$0x3] =	sbarrier.arrive $0xFFFF;
	s2 =	simm.s32 @!p0 $0x1C02  }
0xde: {  	[timem:s3], [sflag:s2] =	dma.local @!p0 [hbm:s0], s1  }
0xdf: {  	s0 =	simm.s32 @!p0 $0x2  }
0xe0: {  	_ =	swait.ge @!p0 [sflag:s0], s1  }
0xe1: {  	s1 =	ssub.s32 @!p0 $0x0, s1;
	[sflag:s0] =	ssyncset.done @!p0 $0x0  }
0xe2: {  	[sflag:s0] =	ssyncadd.s32 @!p0 s1  }
0xe3: {  	[bflag:$0x3] =	sbarrier.arrive $0xFFFF  }
0xe4: {  	_ =	shalt  }

</sc_bundles>
